<compile_context>
chip_gen: v7x
topology: tpu7x:2x2x1
jax: 0.10.2.dev20260603
libtpu: 0.0.44.dev20260713+nightly
codegen_flags: <defaults>
</compile_context>

<pallas_src>
import functools

import jax
import jax.numpy as jnp
from jax import lax
from jax.experimental import pallas as pl
from jax.experimental.pallas import tpu as pltpu
from jax.experimental.pallas import tpu_sc as plsc

_ROWS = 65536
_BATCH = 256
_BR = 1024
_NB = _ROWS // _BR
_NCORE = 2
_PER_C = _NB // _NCORE
_NBUF = 6
_LOOK = 3


def _body(x_ref, o_ref, *rest):
    bufs = rest[:_NBUF]
    lsems = rest[_NBUF:2 * _NBUF]
    ssems = rest[2 * _NBUF:3 * _NBUF]
    cid = lax.axis_index("c")
    base = cid * _PER_C

    def load(i, b):
        src = pl.multiple_of(((base + i) ^ 1) * _BR, _BR)
        return pltpu.make_async_copy(
            x_ref.at[pl.ds(src, _BR)], bufs[b], lsems[b])

    def store(i, b):
        dst = pl.multiple_of((base + i) * _BR, _BR)
        return pltpu.make_async_copy(
            bufs[b], o_ref.at[pl.ds(dst, _BR)], ssems[b])

    for i in range(_LOOK):
        load(i, i % _NBUF).start()
    for i in range(_PER_C):
        b = i % _NBUF
        nxt = i + _LOOK
        if nxt < _PER_C:
            bn = nxt % _NBUF
            if nxt >= _NBUF:
                store(nxt - _NBUF, bn).wait()
            load(nxt, bn).start()
        load(i, b).wait()
        store(i, b).start()
    for i in range(_PER_C - _NBUF, _PER_C):
        store(i, i % _NBUF).wait()


@functools.partial(jax.jit, donate_argnums=())
def _scs_swap(x):
    mesh = plsc.ScalarSubcoreMesh(axis_name="c", num_cores=_NCORE)
    scratch = [pltpu.VMEM_SHARED((_BR, _BATCH), jnp.float32)
               for _ in range(_NBUF)]
    scratch += [pltpu.SemaphoreType.DMA for _ in range(2 * _NBUF)]
    return pl.kernel(
        _body,
        mesh=mesh,
        out_type=jax.ShapeDtypeStruct((_ROWS, _BATCH), jnp.float32),
        scratch_types=scratch,
    )(x)


def kernel(x):
    return _scs_swap(x)

# --- scband reference (transcript-rebuilt; emitter-appended) ---
"""Pipeline reference for scband-xgate-6992206758256 (READ-ONLY COPY).

The authoritative reference and input builder live on the scoring server;
editing this copy changes nothing except your own understanding.
"""

import jax, jax.numpy as jnp
import numpy as np

S = 1
INDEX = 5
DIM = 2
NQ = 16
BATCH = 256


def _gate_matrix(s, dim):
    # Faithful translation of Base()/M construction in XGate.__init__:
    # M[j, i] = <e_j, e_{(i+s) % dim}>. torch stores this as complex64 but all
    # values are exactly real 0/1, so float32 gives identical numerics.
    base = np.eye(dim, dtype=np.float32)
    M = np.zeros((dim, dim), dtype=np.float32)
    for i in range(dim):
        for j in range(dim):
            M[j, i] = float(base[j] @ base[(i + s) % dim])
    return jnp.asarray(M)


def setup_inputs(seed: int = 0) -> dict:
    key = jax.random.key(seed)
    x = jax.random.normal(key, (DIM ** NQ, BATCH), dtype=jnp.float32)
    return {"x": x}


def reference(x):
    # forward: U @ x, where U = I_{dim^esq} (x) M (x) I_{dim^dir}.
    # The kron structure is applied exactly by reshaping the state index into
    # (left, target-qudit, right) factors and contracting M on the target axis.
    M = _gate_matrix(S, DIM)
    esq = INDEX
    dirn = NQ - INDEX - 1
    B = x.shape[1]
    xr = x.reshape(DIM ** esq, DIM, DIM ** dirn, B)
    yr = jnp.einsum('ji,aibc->ajbc', M, xr)
    return yr.reshape(DIM ** NQ, B)

if __name__ == "__main__":
    import jax
    _d = setup_inputs()
    print(jax.jit(kernel)(*tuple(_d.values())))

</pallas_src>

<mosaic_0001>
#map = affine_map<(d0) -> (0, 0)>
module attributes {stable_mosaic.version = 14 : i64} {
  func.func @_body(%arg0: i32, %arg1: memref<65536x256xf32, #tpu.memory_space<hbm>>, %arg2: memref<65536x256xf32, #tpu.memory_space<hbm>>, %arg3: memref<1024x256xf32, #tpu.memory_space<vmem_shared>>, %arg4: memref<1024x256xf32, #tpu.memory_space<vmem_shared>>, %arg5: memref<1024x256xf32, #tpu.memory_space<vmem_shared>>, %arg6: memref<1024x256xf32, #tpu.memory_space<vmem_shared>>, %arg7: memref<1024x256xf32, #tpu.memory_space<vmem_shared>>, %arg8: memref<1024x256xf32, #tpu.memory_space<vmem_shared>>, %arg9: memref<!tpu.dma_semaphore, #tpu.memory_space<semaphore_mem>>, %arg10: memref<!tpu.dma_semaphore, #tpu.memory_space<semaphore_mem>>, %arg11: memref<!tpu.dma_semaphore, #tpu.memory_space<semaphore_mem>>, %arg12: memref<!tpu.dma_semaphore, #tpu.memory_space<semaphore_mem>>, %arg13: memref<!tpu.dma_semaphore, #tpu.memory_space<semaphore_mem>>, %arg14: memref<!tpu.dma_semaphore, #tpu.memory_space<semaphore_mem>>, %arg15: memref<!tpu.dma_semaphore, #tpu.memory_space<semaphore_mem>>, %arg16: memref<!tpu.dma_semaphore, #tpu.memory_space<semaphore_mem>>, %arg17: memref<!tpu.dma_semaphore, #tpu.memory_space<semaphore_mem>>, %arg18: memref<!tpu.dma_semaphore, #tpu.memory_space<semaphore_mem>>, %arg19: memref<!tpu.dma_semaphore, #tpu.memory_space<semaphore_mem>>, %arg20: memref<!tpu.dma_semaphore, #tpu.memory_space<semaphore_mem>>) attributes {dimension_semantics = [#tpu.dimension_semantics<core_parallel>], iteration_bounds = array<i64: 2>, scalar_prefetch = 0 : i64, scratch_operands = 18 : i64, tpu.core_type = #tpu.core_type<sc_scalar_subcore>, window_params = [{transform_indices = #map}, {transform_indices = #map}]} {
    %mul3A = arith.constant 32 : i32
    %mul3A_0 = arith.muli %arg0, %mul3A : i32
    %add3A = arith.constant 0 : i32
    %add3A_1 = arith.addi %mul3A_0, %add3A : i32
    %xor3A = arith.constant 1 : i32
    %xor3A_2 = arith.xori %add3A_1, %xor3A : i32
    %mul3A_3 = arith.constant 1024 : i32
    %mul3A_4 = arith.muli %xor3A_2, %mul3A_3 : i32
    %multiple_of3A = tpu.assume_multiple %mul3A_4, 1024 : i32
    %dma_start3A = arith.constant 0 : i32
    %dma_start3A_5 = tpu.memref_slice %arg1[%multiple_of3A, %dma_start3A] : memref<65536x256xf32, #tpu.memory_space<hbm>> -> memref<1024x256xf32, #tpu.memory_space<hbm>>
    tpu.enqueue_dma source(%dma_start3A_5 : memref<1024x256xf32, #tpu.memory_space<hbm>>) target(%arg3 : memref<1024x256xf32, #tpu.memory_space<vmem_shared>>) target_semaphore(%arg9 : memref<!tpu.dma_semaphore, #tpu.memory_space<semaphore_mem>>)
    %add3A_6 = arith.constant 1 : i32
    %add3A_7 = arith.addi %mul3A_0, %add3A_6 : i32
    %xor3A_8 = arith.constant 1 : i32
    %xor3A_9 = arith.xori %add3A_7, %xor3A_8 : i32
    %mul3A_10 = arith.constant 1024 : i32
    %mul3A_11 = arith.muli %xor3A_9, %mul3A_10 : i32
    %multiple_of3A_12 = tpu.assume_multiple %mul3A_11, 1024 : i32
    %dma_start3A_13 = arith.constant 0 : i32
    %dma_start3A_14 = tpu.memref_slice %arg1[%multiple_of3A_12, %dma_start3A_13] : memref<65536x256xf32, #tpu.memory_space<hbm>> -> memref<1024x256xf32, #tpu.memory_space<hbm>>
    tpu.enqueue_dma source(%dma_start3A_14 : memref<1024x256xf32, #tpu.memory_space<hbm>>) target(%arg4 : memref<1024x256xf32, #tpu.memory_space<vmem_shared>>) target_semaphore(%arg10 : memref<!tpu.dma_semaphore, #tpu.memory_space<semaphore_mem>>)
    %add3A_15 = arith.constant 2 : i32
    %add3A_16 = arith.addi %mul3A_0, %add3A_15 : i32
    %xor3A_17 = arith.constant 1 : i32
    %xor3A_18 = arith.xori %add3A_16, %xor3A_17 : i32
    %mul3A_19 = arith.constant 1024 : i32
    %mul3A_20 = arith.muli %xor3A_18, %mul3A_19 : i32
    %multiple_of3A_21 = tpu.assume_multiple %mul3A_20, 1024 : i32
    %dma_start3A_22 = arith.constant 0 : i32
    %dma_start3A_23 = tpu.memref_slice %arg1[%multiple_of3A_21, %dma_start3A_22] : memref<65536x256xf32, #tpu.memory_space<hbm>> -> memref<1024x256xf32, #tpu.memory_space<hbm>>
    tpu.enqueue_dma source(%dma_start3A_23 : memref<1024x256xf32, #tpu.memory_space<hbm>>) target(%arg5 : memref<1024x256xf32, #tpu.memory_space<vmem_shared>>) target_semaphore(%arg11 : memref<!tpu.dma_semaphore, #tpu.memory_space<semaphore_mem>>)
    %add3A_24 = arith.constant 3 : i32
    %add3A_25 = arith.addi %mul3A_0, %add3A_24 : i32
    %xor3A_26 = arith.constant 1 : i32
    %xor3A_27 = arith.xori %add3A_25, %xor3A_26 : i32
    %mul3A_28 = arith.constant 1024 : i32
    %mul3A_29 = arith.muli %xor3A_27, %mul3A_28 : i32
    %multiple_of3A_30 = tpu.assume_multiple %mul3A_29, 1024 : i32
    %dma_start3A_31 = arith.constant 0 : i32
    %dma_start3A_32 = tpu.memref_slice %arg1[%multiple_of3A_30, %dma_start3A_31] : memref<65536x256xf32, #tpu.memory_space<hbm>> -> memref<1024x256xf32, #tpu.memory_space<hbm>>
    tpu.enqueue_dma source(%dma_start3A_32 : memref<1024x256xf32, #tpu.memory_space<hbm>>) target(%arg6 : memref<1024x256xf32, #tpu.memory_space<vmem_shared>>) target_semaphore(%arg12 : memref<!tpu.dma_semaphore, #tpu.memory_space<semaphore_mem>>)
    %add3A_33 = arith.constant 0 : i32
    %add3A_34 = arith.addi %mul3A_0, %add3A_33 : i32
    %xor3A_35 = arith.constant 1 : i32
    %xor3A_36 = arith.xori %add3A_34, %xor3A_35 : i32
    %mul3A_37 = arith.constant 1024 : i32
    %mul3A_38 = arith.muli %xor3A_36, %mul3A_37 : i32
    %multiple_of3A_39 = tpu.assume_multiple %mul3A_38, 1024 : i32
    %dma_wait3A = arith.constant 0 : i32
    %dma_wait3A_40 = tpu.memref_slice %arg1[%multiple_of3A_39, %dma_wait3A] : memref<65536x256xf32, #tpu.memory_space<hbm>> -> memref<1024x256xf32, #tpu.memory_space<hbm>>
    tpu.wait_dma2 semaphore(%arg9 : memref<!tpu.dma_semaphore, #tpu.memory_space<semaphore_mem>>) src(%dma_wait3A_40 : memref<1024x256xf32, #tpu.memory_space<hbm>>) dst(%arg3 : memref<1024x256xf32, #tpu.memory_space<vmem_shared>>)
    %add3A_41 = arith.constant 0 : i32
    %add3A_42 = arith.addi %mul3A_0, %add3A_41 : i32
    %mul3A_43 = arith.constant 1024 : i32
    %mul3A_44 = arith.muli %add3A_42, %mul3A_43 : i32
    %multiple_of3A_45 = tpu.assume_multiple %mul3A_44, 1024 : i32
    %dma_start3A_46 = arith.constant 0 : i32
    %dma_start3A_47 = tpu.memref_slice %arg2[%multiple_of3A_45, %dma_start3A_46] : memref<65536x256xf32, #tpu.memory_space<hbm>> -> memref<1024x256xf32, #tpu.memory_space<hbm>>
    tpu.enqueue_dma source(%arg3 : memref<1024x256xf32, #tpu.memory_space<vmem_shared>>) target(%dma_start3A_47 : memref<1024x256xf32, #tpu.memory_space<hbm>>) target_semaphore(%arg15 : memref<!tpu.dma_semaphore, #tpu.memory_space<semaphore_mem>>)
    %add3A_48 = arith.constant 4 : i32
    %add3A_49 = arith.addi %mul3A_0, %add3A_48 : i32
    %xor3A_50 = arith.constant 1 : i32
    %xor3A_51 = arith.xori %add3A_49, %xor3A_50 : i32
    %mul3A_52 = arith.constant 1024 : i32
    %mul3A_53 = arith.muli %xor3A_51, %mul3A_52 : i32
    %multiple_of3A_54 = tpu.assume_multiple %mul3A_53, 1024 : i32
    %dma_start3A_55 = arith.constant 0 : i32
    %dma_start3A_56 = tpu.memref_slice %arg1[%multiple_of3A_54, %dma_start3A_55] : memref<65536x256xf32, #tpu.memory_space<hbm>> -> memref<1024x256xf32, #tpu.memory_space<hbm>>
    tpu.enqueue_dma source(%dma_start3A_56 : memref<1024x256xf32, #tpu.memory_space<hbm>>) target(%arg7 : memref<1024x256xf32, #tpu.memory_space<vmem_shared>>) target_semaphore(%arg13 : memref<!tpu.dma_semaphore, #tpu.memory_space<semaphore_mem>>)
    %add3A_57 = arith.constant 1 : i32
    %add3A_58 = arith.addi %mul3A_0, %add3A_57 : i32
    %xor3A_59 = arith.constant 1 : i32
    %xor3A_60 = arith.xori %add3A_58, %xor3A_59 : i32
    %mul3A_61 = arith.constant 1024 : i32
    %mul3A_62 = arith.muli %xor3A_60, %mul3A_61 : i32
    %multiple_of3A_63 = tpu.assume_multiple %mul3A_62, 1024 : i32
    %dma_wait3A_64 = arith.constant 0 : i32
    %dma_wait3A_65 = tpu.memref_slice %arg1[%multiple_of3A_63, %dma_wait3A_64] : memref<65536x256xf32, #tpu.memory_space<hbm>> -> memref<1024x256xf32, #tpu.memory_space<hbm>>
    tpu.wait_dma2 semaphore(%arg10 : memref<!tpu.dma_semaphore, #tpu.memory_space<semaphore_mem>>) src(%dma_wait3A_65 : memref<1024x256xf32, #tpu.memory_space<hbm>>) dst(%arg4 : memref<1024x256xf32, #tpu.memory_space<vmem_shared>>)
    %add3A_66 = arith.constant 1 : i32
    %add3A_67 = arith.addi %mul3A_0, %add3A_66 : i32
    %mul3A_68 = arith.constant 1024 : i32
    %mul3A_69 = arith.muli %add3A_67, %mul3A_68 : i32
    %multiple_of3A_70 = tpu.assume_multiple %mul3A_69, 1024 : i32
    %dma_start3A_71 = arith.constant 0 : i32
    %dma_start3A_72 = tpu.memref_slice %arg2[%multiple_of3A_70, %dma_start3A_71] : memref<65536x256xf32, #tpu.memory_space<hbm>> -> memref<1024x256xf32, #tpu.memory_space<hbm>>
    tpu.enqueue_dma source(%arg4 : memref<1024x256xf32, #tpu.memory_space<vmem_shared>>) target(%dma_start3A_72 : memref<1024x256xf32, #tpu.memory_space<hbm>>) target_semaphore(%arg16 : memref<!tpu.dma_semaphore, #tpu.memory_space<semaphore_mem>>)
    %add3A_73 = arith.constant 5 : i32
    %add3A_74 = arith.addi %mul3A_0, %add3A_73 : i32
    %xor3A_75 = arith.constant 1 : i32
    %xor3A_76 = arith.xori %add3A_74, %xor3A_75 : i32
    %mul3A_77 = arith.constant 1024 : i32
    %mul3A_78 = arith.muli %xor3A_76, %mul3A_77 : i32
    %multiple_of3A_79 = tpu.assume_multiple %mul3A_78, 1024 : i32
    %dma_start3A_80 = arith.constant 0 : i32
    %dma_start3A_81 = tpu.memref_slice %arg1[%multiple_of3A_79, %dma_start3A_80] : memref<65536x256xf32, #tpu.memory_space<hbm>> -> memref<1024x256xf32, #tpu.memory_space<hbm>>
    tpu.enqueue_dma source(%dma_start3A_81 : memref<1024x256xf32, #tpu.memory_space<hbm>>) target(%arg8 : memref<1024x256xf32, #tpu.memory_space<vmem_shared>>) target_semaphore(%arg14 : memref<!tpu.dma_semaphore, #tpu.memory_space<semaphore_mem>>)
    %add3A_82 = arith.constant 2 : i32
    %add3A_83 = arith.addi %mul3A_0, %add3A_82 : i32
    %xor3A_84 = arith.constant 1 : i32
    %xor3A_85 = arith.xori %add3A_83, %xor3A_84 : i32
    %mul3A_86 = arith.constant 1024 : i32
    %mul3A_87 = arith.muli %xor3A_85, %mul3A_86 : i32
    %multiple_of3A_88 = tpu.assume_multiple %mul3A_87, 1024 : i32
    %dma_wait3A_89 = arith.constant 0 : i32
    %dma_wait3A_90 = tpu.memref_slice %arg1[%multiple_of3A_88, %dma_wait3A_89] : memref<65536x256xf32, #tpu.memory_space<hbm>> -> memref<1024x256xf32, #tpu.memory_space<hbm>>
    tpu.wait_dma2 semaphore(%arg11 : memref<!tpu.dma_semaphore, #tpu.memory_space<semaphore_mem>>) src(%dma_wait3A_90 : memref<1024x256xf32, #tpu.memory_space<hbm>>) dst(%arg5 : memref<1024x256xf32, #tpu.memory_space<vmem_shared>>)
    %add3A_91 = arith.constant 2 : i32
    %add3A_92 = arith.addi %mul3A_0, %add3A_91 : i32
    %mul3A_93 = arith.constant 1024 : i32
    %mul3A_94 = arith.muli %add3A_92, %mul3A_93 : i32
    %multiple_of3A_95 = tpu.assume_multiple %mul3A_94, 1024 : i32
    %dma_start3A_96 = arith.constant 0 : i32
    %dma_start3A_97 = tpu.memref_slice %arg2[%multiple_of3A_95, %dma_start3A_96] : memref<65536x256xf32, #tpu.memory_space<hbm>> -> memref<1024x256xf32, #tpu.memory_space<hbm>>
    tpu.enqueue_dma source(%arg5 : memref<1024x256xf32, #tpu.memory_space<vmem_shared>>) target(%dma_start3A_97 : memref<1024x256xf32, #tpu.memory_space<hbm>>) target_semaphore(%arg17 : memref<!tpu.dma_semaphore, #tpu.memory_space<semaphore_mem>>)
    %add3A_98 = arith.constant 0 : i32
    %add3A_99 = arith.addi %mul3A_0, %add3A_98 : i32
    %mul3A_100 = arith.constant 1024 : i32
    %mul3A_101 = arith.muli %add3A_99, %mul3A_100 : i32
    %multiple_of3A_102 = tpu.assume_multiple %mul3A_101, 1024 : i32
    %dma_wait3A_103 = arith.constant 0 : i32
    %dma_wait3A_104 = tpu.memref_slice %arg2[%multiple_of3A_102, %dma_wait3A_103] : memref<65536x256xf32, #tpu.memory_space<hbm>> -> memref<1024x256xf32, #tpu.memory_space<hbm>>
    tpu.wait_dma2 semaphore(%arg15 : memref<!tpu.dma_semaphore, #tpu.memory_space<semaphore_mem>>) src(%arg3 : memref<1024x256xf32, #tpu.memory_space<vmem_shared>>) dst(%dma_wait3A_104 : memref<1024x256xf32, #tpu.memory_space<hbm>>)
    %add3A_105 = arith.constant 6 : i32
    %add3A_106 = arith.addi %mul3A_0, %add3A_105 : i32
    %xor3A_107 = arith.constant 1 : i32
    %xor3A_108 = arith.xori %add3A_106, %xor3A_107 : i32
    %mul3A_109 = arith.constant 1024 : i32
    %mul3A_110 = arith.muli %xor3A_108, %mul3A_109 : i32
    %multiple_of3A_111 = tpu.assume_multiple %mul3A_110, 1024 : i32
    %dma_start3A_112 = arith.constant 0 : i32
    %dma_start3A_113 = tpu.memref_slice %arg1[%multiple_of3A_111, %dma_start3A_112] : memref<65536x256xf32, #tpu.memory_space<hbm>> -> memref<1024x256xf32, #tpu.memory_space<hbm>>
    tpu.enqueue_dma source(%dma_start3A_113 : memref<1024x256xf32, #tpu.memory_space<hbm>>) target(%arg3 : memref<1024x256xf32, #tpu.memory_space<vmem_shared>>) target_semaphore(%arg9 : memref<!tpu.dma_semaphore, #tpu.memory_space<semaphore_mem>>)
    %add3A_114 = arith.constant 3 : i32
    %add3A_115 = arith.addi %mul3A_0, %add3A_114 : i32
    %xor3A_116 = arith.constant 1 : i32
    %xor3A_117 = arith.xori %add3A_115, %xor3A_116 : i32
    %mul3A_118 = arith.constant 1024 : i32
    %mul3A_119 = arith.muli %xor3A_117, %mul3A_118 : i32
    %multiple_of3A_120 = tpu.assume_multiple %mul3A_119, 1024 : i32
    %dma_wait3A_121 = arith.constant 0 : i32
    %dma_wait3A_122 = tpu.memref_slice %arg1[%multiple_of3A_120, %dma_wait3A_121] : memref<65536x256xf32, #tpu.memory_space<hbm>> -> memref<1024x256xf32, #tpu.memory_space<hbm>>
    tpu.wait_dma2 semaphore(%arg12 : memref<!tpu.dma_semaphore, #tpu.memory_space<semaphore_mem>>) src(%dma_wait3A_122 : memref<1024x256xf32, #tpu.memory_space<hbm>>) dst(%arg6 : memref<1024x256xf32, #tpu.memory_space<vmem_shared>>)
    %add3A_123 = arith.constant 3 : i32
    %add3A_124 = arith.addi %mul3A_0, %add3A_123 : i32
    %mul3A_125 = arith.constant 1024 : i32
    %mul3A_126 = arith.muli %add3A_124, %mul3A_125 : i32
    %multiple_of3A_127 = tpu.assume_multiple %mul3A_126, 1024 : i32
    %dma_start3A_128 = arith.constant 0 : i32
    %dma_start3A_129 = tpu.memref_slice %arg2[%multiple_of3A_127, %dma_start3A_128] : memref<65536x256xf32, #tpu.memory_space<hbm>> -> memref<1024x256xf32, #tpu.memory_space<hbm>>
    tpu.enqueue_dma source(%arg6 : memref<1024x256xf32, #tpu.memory_space<vmem_shared>>) target(%dma_start3A_129 : memref<1024x256xf32, #tpu.memory_space<hbm>>) target_semaphore(%arg18 : memref<!tpu.dma_semaphore, #tpu.memory_space<semaphore_mem>>)
    %add3A_130 = arith.constant 1 : i32
    %add3A_131 = arith.addi %mul3A_0, %add3A_130 : i32
    %mul3A_132 = arith.constant 1024 : i32
    %mul3A_133 = arith.muli %add3A_131, %mul3A_132 : i32
    %multiple_of3A_134 = tpu.assume_multiple %mul3A_133, 1024 : i32
    %dma_wait3A_135 = arith.constant 0 : i32
    %dma_wait3A_136 = tpu.memref_slice %arg2[%multiple_of3A_134, %dma_wait3A_135] : memref<65536x256xf32, #tpu.memory_space<hbm>> -> memref<1024x256xf32, #tpu.memory_space<hbm>>
    tpu.wait_dma2 semaphore(%arg16 : memref<!tpu.dma_semaphore, #tpu.memory_space<semaphore_mem>>) src(%arg4 : memref<1024x256xf32, #tpu.memory_space<vmem_shared>>) dst(%dma_wait3A_136 : memref<1024x256xf32, #tpu.memory_space<hbm>>)
    %add3A_137 = arith.constant 7 : i32
    %add3A_138 = arith.addi %mul3A_0, %add3A_137 : i32
    %xor3A_139 = arith.constant 1 : i32
    %xor3A_140 = arith.xori %add3A_138, %xor3A_139 : i32
    %mul3A_141 = arith.constant 1024 : i32
    %mul3A_142 = arith.muli %xor3A_140, %mul3A_141 : i32
    %multiple_of3A_143 = tpu.assume_multiple %mul3A_142, 1024 : i32
    %dma_start3A_144 = arith.constant 0 : i32
    %dma_start3A_145 = tpu.memref_slice %arg1[%multiple_of3A_143, %dma_start3A_144] : memref<65536x256xf32, #tpu.memory_space<hbm>> -> memref<1024x256xf32, #tpu.memory_space<hbm>>
    tpu.enqueue_dma source(%dma_start3A_145 : memref<1024x256xf32, #tpu.memory_space<hbm>>) target(%arg4 : memref<1024x256xf32, #tpu.memory_space<vmem_shared>>) target_semaphore(%arg10 : memref<!tpu.dma_semaphore, #tpu.memory_space<semaphore_mem>>)
    %add3A_146 = arith.constant 4 : i32
    %add3A_147 = arith.addi %mul3A_0, %add3A_146 : i32
    %xor3A_148 = arith.constant 1 : i32
    %xor3A_149 = arith.xori %add3A_147, %xor3A_148 : i32
    %mul3A_150 = arith.constant 1024 : i32
    %mul3A_151 = arith.muli %xor3A_149, %mul3A_150 : i32
    %multiple_of3A_152 = tpu.assume_multiple %mul3A_151, 1024 : i32
    %dma_wait3A_153 = arith.constant 0 : i32
    %dma_wait3A_154 = tpu.memref_slice %arg1[%multiple_of3A_152, %dma_wait3A_153] : memref<65536x256xf32, #tpu.memory_space<hbm>> -> memref<1024x256xf32, #tpu.memory_space<hbm>>
    tpu.wait_dma2 semaphore(%arg13 : memref<!tpu.dma_semaphore, #tpu.memory_space<semaphore_mem>>) src(%dma_wait3A_154 : memref<1024x256xf32, #tpu.memory_space<hbm>>) dst(%arg7 : memref<1024x256xf32, #tpu.memory_space<vmem_shared>>)
    %add3A_155 = arith.constant 4 : i32
    %add3A_156 = arith.addi %mul3A_0, %add3A_155 : i32
    %mul3A_157 = arith.constant 1024 : i32
    %mul3A_158 = arith.muli %add3A_156, %mul3A_157 : i32
    %multiple_of3A_159 = tpu.assume_multiple %mul3A_158, 1024 : i32
    %dma_start3A_160 = arith.constant 0 : i32
    %dma_start3A_161 = tpu.memref_slice %arg2[%multiple_of3A_159, %dma_start3A_160] : memref<65536x256xf32, #tpu.memory_space<hbm>> -> memref<1024x256xf32, #tpu.memory_space<hbm>>
    tpu.enqueue_dma source(%arg7 : memref<1024x256xf32, #tpu.memory_space<vmem_shared>>) target(%dma_start3A_161 : memref<1024x256xf32, #tpu.memory_space<hbm>>) target_semaphore(%arg19 : memref<!tpu.dma_semaphore, #tpu.memory_space<semaphore_mem>>)
    %add3A_162 = arith.constant 2 : i32
    %add3A_163 = arith.addi %mul3A_0, %add3A_162 : i32
    %mul3A_164 = arith.constant 1024 : i32
    %mul3A_165 = arith.muli %add3A_163, %mul3A_164 : i32
    %multiple_of3A_166 = tpu.assume_multiple %mul3A_165, 1024 : i32
    %dma_wait3A_167 = arith.constant 0 : i32
    %dma_wait3A_168 = tpu.memref_slice %arg2[%multiple_of3A_166, %dma_wait3A_167] : memref<65536x256xf32, #tpu.memory_space<hbm>> -> memref<1024x256xf32, #tpu.memory_space<hbm>>
    tpu.wait_dma2 semaphore(%arg17 : memref<!tpu.dma_semaphore, #tpu.memory_space<semaphore_mem>>) src(%arg5 : memref<1024x256xf32, #tpu.memory_space<vmem_shared>>) dst(%dma_wait3A_168 : memref<1024x256xf32, #tpu.memory_space<hbm>>)
    %add3A_169 = arith.constant 8 : i32
    %add3A_170 = arith.addi %mul3A_0, %add3A_169 : i32
    %xor3A_171 = arith.constant 1 : i32
    %xor3A_172 = arith.xori %add3A_170, %xor3A_171 : i32
    %mul3A_173 = arith.constant 1024 : i32
    %mul3A_174 = arith.muli %xor3A_172, %mul3A_173 : i32
    %multiple_of3A_175 = tpu.assume_multiple %mul3A_174, 1024 : i32
    %dma_start3A_176 = arith.constant 0 : i32
    %dma_start3A_177 = tpu.memref_slice %arg1[%multiple_of3A_175, %dma_start3A_176] : memref<65536x256xf32, #tpu.memory_space<hbm>> -> memref<1024x256xf32, #tpu.memory_space<hbm>>
    tpu.enqueue_dma source(%dma_start3A_177 : memref<1024x256xf32, #tpu.memory_space<hbm>>) target(%arg5 : memref<1024x256xf32, #tpu.memory_space<vmem_shared>>) target_semaphore(%arg11 : memref<!tpu.dma_semaphore, #tpu.memory_space<semaphore_mem>>)
    %add3A_178 = arith.constant 5 : i32
    %add3A_179 = arith.addi %mul3A_0, %add3A_178 : i32
    %xor3A_180 = arith.constant 1 : i32
    %xor3A_181 = arith.xori %add3A_179, %xor3A_180 : i32
    %mul3A_182 = arith.constant 1024 : i32
    %mul3A_183 = arith.muli %xor3A_181, %mul3A_182 : i32
    %multiple_of3A_184 = tpu.assume_multiple %mul3A_183, 1024 : i32
    %dma_wait3A_185 = arith.constant 0 : i32
    %dma_wait3A_186 = tpu.memref_slice %arg1[%multiple_of3A_184, %dma_wait3A_185] : memref<65536x256xf32, #tpu.memory_space<hbm>> -> memref<1024x256xf32, #tpu.memory_space<hbm>>
    tpu.wait_dma2 semaphore(%arg14 : memref<!tpu.dma_semaphore, #tpu.memory_space<semaphore_mem>>) src(%dma_wait3A_186 : memref<1024x256xf32, #tpu.memory_space<hbm>>) dst(%arg8 : memref<1024x256xf32, #tpu.memory_space<vmem_shared>>)
    %add3A_187 = arith.constant 5 : i32
    %add3A_188 = arith.addi %mul3A_0, %add3A_187 : i32
    %mul3A_189 = arith.constant 1024 : i32
    %mul3A_190 = arith.muli %add3A_188, %mul3A_189 : i32
    %multiple_of3A_191 = tpu.assume_multiple %mul3A_190, 1024 : i32
    %dma_start3A_192 = arith.constant 0 : i32
    %dma_start3A_193 = tpu.memref_slice %arg2[%multiple_of3A_191, %dma_start3A_192] : memref<65536x256xf32, #tpu.memory_space<hbm>> -> memref<1024x256xf32, #tpu.memory_space<hbm>>
    tpu.enqueue_dma source(%arg8 : memref<1024x256xf32, #tpu.memory_space<vmem_shared>>) target(%dma_start3A_193 : memref<1024x256xf32, #tpu.memory_space<hbm>>) target_semaphore(%arg20 : memref<!tpu.dma_semaphore, #tpu.memory_space<semaphore_mem>>)
    %add3A_194 = arith.constant 3 : i32
    %add3A_195 = arith.addi %mul3A_0, %add3A_194 : i32
    %mul3A_196 = arith.constant 1024 : i32
    %mul3A_197 = arith.muli %add3A_195, %mul3A_196 : i32
    %multiple_of3A_198 = tpu.assume_multiple %mul3A_197, 1024 : i32
    %dma_wait3A_199 = arith.constant 0 : i32
    %dma_wait3A_200 = tpu.memref_slice %arg2[%multiple_of3A_198, %dma_wait3A_199] : memref<65536x256xf32, #tpu.memory_space<hbm>> -> memref<1024x256xf32, #tpu.memory_space<hbm>>
    tpu.wait_dma2 semaphore(%arg18 : memref<!tpu.dma_semaphore, #tpu.memory_space<semaphore_mem>>) src(%arg6 : memref<1024x256xf32, #tpu.memory_space<vmem_shared>>) dst(%dma_wait3A_200 : memref<1024x256xf32, #tpu.memory_space<hbm>>)
    %add3A_201 = arith.constant 9 : i32
    %add3A_202 = arith.addi %mul3A_0, %add3A_201 : i32
    %xor3A_203 = arith.constant 1 : i32
    %xor3A_204 = arith.xori %add3A_202, %xor3A_203 : i32
    %mul3A_205 = arith.constant 1024 : i32
    %mul3A_206 = arith.muli %xor3A_204, %mul3A_205 : i32
    %multiple_of3A_207 = tpu.assume_multiple %mul3A_206, 1024 : i32
    %dma_start3A_208 = arith.constant 0 : i32
    %dma_start3A_209 = tpu.memref_slice %arg1[%multiple_of3A_207, %dma_start3A_208] : memref<65536x256xf32, #tpu.memory_space<hbm>> -> memref<1024x256xf32, #tpu.memory_space<hbm>>
    tpu.enqueue_dma source(%dma_start3A_209 : memref<1024x256xf32, #tpu.memory_space<hbm>>) target(%arg6 : memref<1024x256xf32, #tpu.memory_space<vmem_shared>>) target_semaphore(%arg12 : memref<!tpu.dma_semaphore, #tpu.memory_space<semaphore_mem>>)
    %add3A_210 = arith.constant 6 : i32
    %add3A_211 = arith.addi %mul3A_0, %add3A_210 : i32
    %xor3A_212 = arith.constant 1 : i32
    %xor3A_213 = arith.xori %add3A_211, %xor3A_212 : i32
    %mul3A_214 = arith.constant 1024 : i32
    %mul3A_215 = arith.muli %xor3A_213, %mul3A_214 : i32
    %multiple_of3A_216 = tpu.assume_multiple %mul3A_215, 1024 : i32
    %dma_wait3A_217 = arith.constant 0 : i32
    %dma_wait3A_218 = tpu.memref_slice %arg1[%multiple_of3A_216, %dma_wait3A_217] : memref<65536x256xf32, #tpu.memory_space<hbm>> -> memref<1024x256xf32, #tpu.memory_space<hbm>>
    tpu.wait_dma2 semaphore(%arg9 : memref<!tpu.dma_semaphore, #tpu.memory_space<semaphore_mem>>) src(%dma_wait3A_218 : memref<1024x256xf32, #tpu.memory_space<hbm>>) dst(%arg3 : memref<1024x256xf32, #tpu.memory_space<vmem_shared>>)
    %add3A_219 = arith.constant 6 : i32
    %add3A_220 = arith.addi %mul3A_0, %add3A_219 : i32
    %mul3A_221 = arith.constant 1024 : i32
    %mul3A_222 = arith.muli %add3A_220, %mul3A_221 : i32
    %multiple_of3A_223 = tpu.assume_multiple %mul3A_222, 1024 : i32
    %dma_start3A_224 = arith.constant 0 : i32
    %dma_start3A_225 = tpu.memref_slice %arg2[%multiple_of3A_223, %dma_start3A_224] : memref<65536x256xf32, #tpu.memory_space<hbm>> -> memref<1024x256xf32, #tpu.memory_space<hbm>>
    tpu.enqueue_dma source(%arg3 : memref<1024x256xf32, #tpu.memory_space<vmem_shared>>) target(%dma_start3A_225 : memref<1024x256xf32, #tpu.memory_space<hbm>>) target_semaphore(%arg15 : memref<!tpu.dma_semaphore, #tpu.memory_space<semaphore_mem>>)
    %add3A_226 = arith.constant 4 : i32
    %add3A_227 = arith.addi %mul3A_0, %add3A_226 : i32
    %mul3A_228 = arith.constant 1024 : i32
    %mul3A_229 = arith.muli %add3A_227, %mul3A_228 : i32
    %multiple_of3A_230 = tpu.assume_multiple %mul3A_229, 1024 : i32
    %dma_wait3A_231 = arith.constant 0 : i32
    %dma_wait3A_232 = tpu.memref_slice %arg2[%multiple_of3A_230, %dma_wait3A_231] : memref<65536x256xf32, #tpu.memory_space<hbm>> -> memref<1024x256xf32, #tpu.memory_space<hbm>>
    tpu.wait_dma2 semaphore(%arg19 : memref<!tpu.dma_semaphore, #tpu.memory_space<semaphore_mem>>) src(%arg7 : memref<1024x256xf32, #tpu.memory_space<vmem_shared>>) dst(%dma_wait3A_232 : memref<1024x256xf32, #tpu.memory_space<hbm>>)
    %add3A_233 = arith.constant 10 : i32
    %add3A_234 = arith.addi %mul3A_0, %add3A_233 : i32
    %xor3A_235 = arith.constant 1 : i32
    %xor3A_236 = arith.xori %add3A_234, %xor3A_235 : i32
    %mul3A_237 = arith.constant 1024 : i32
    %mul3A_238 = arith.muli %xor3A_236, %mul3A_237 : i32
    %multiple_of3A_239 = tpu.assume_multiple %mul3A_238, 1024 : i32
    %dma_start3A_240 = arith.constant 0 : i32
    %dma_start3A_241 = tpu.memref_slice %arg1[%multiple_of3A_239, %dma_start3A_240] : memref<65536x256xf32, #tpu.memory_space<hbm>> -> memref<1024x256xf32, #tpu.memory_space<hbm>>
    tpu.enqueue_dma source(%dma_start3A_241 : memref<1024x256xf32, #tpu.memory_space<hbm>>) target(%arg7 : memref<1024x256xf32, #tpu.memory_space<vmem_shared>>) target_semaphore(%arg13 : memref<!tpu.dma_semaphore, #tpu.memory_space<semaphore_mem>>)
    %add3A_242 = arith.constant 7 : i32
    %add3A_243 = arith.addi %mul3A_0, %add3A_242 : i32
    %xor3A_244 = arith.constant 1 : i32
    %xor3A_245 = arith.xori %add3A_243, %xor3A_244 : i32
    %mul3A_246 = arith.constant 1024 : i32
    %mul3A_247 = arith.muli %xor3A_245, %mul3A_246 : i32
    %multiple_of3A_248 = tpu.assume_multiple %mul3A_247, 1024 : i32
    %dma_wait3A_249 = arith.constant 0 : i32
    %dma_wait3A_250 = tpu.memref_slice %arg1[%multiple_of3A_248, %dma_wait3A_249] : memref<65536x256xf32, #tpu.memory_space<hbm>> -> memref<1024x256xf32, #tpu.memory_space<hbm>>
    tpu.wait_dma2 semaphore(%arg10 : memref<!tpu.dma_semaphore, #tpu.memory_space<semaphore_mem>>) src(%dma_wait3A_250 : memref<1024x256xf32, #tpu.memory_space<hbm>>) dst(%arg4 : memref<1024x256xf32, #tpu.memory_space<vmem_shared>>)
    %add3A_251 = arith.constant 7 : i32
    %add3A_252 = arith.addi %mul3A_0, %add3A_251 : i32
    %mul3A_253 = arith.constant 1024 : i32
    %mul3A_254 = arith.muli %add3A_252, %mul3A_253 : i32
    %multiple_of3A_255 = tpu.assume_multiple %mul3A_254, 1024 : i32
    %dma_start3A_256 = arith.constant 0 : i32
    %dma_start3A_257 = tpu.memref_slice %arg2[%multiple_of3A_255, %dma_start3A_256] : memref<65536x256xf32, #tpu.memory_space<hbm>> -> memref<1024x256xf32, #tpu.memory_space<hbm>>
    tpu.enqueue_dma source(%arg4 : memref<1024x256xf32, #tpu.memory_space<vmem_shared>>) target(%dma_start3A_257 : memref<1024x256xf32, #tpu.memory_space<hbm>>) target_semaphore(%arg16 : memref<!tpu.dma_semaphore, #tpu.memory_space<semaphore_mem>>)
    %add3A_258 = arith.constant 5 : i32
    %add3A_259 = arith.addi %mul3A_0, %add3A_258 : i32
    %mul3A_260 = arith.constant 1024 : i32
    %mul3A_261 = arith.muli %add3A_259, %mul3A_260 : i32
    %multiple_of3A_262 = tpu.assume_multiple %mul3A_261, 1024 : i32
    %dma_wait3A_263 = arith.constant 0 : i32
    %dma_wait3A_264 = tpu.memref_slice %arg2[%multiple_of3A_262, %dma_wait3A_263] : memref<65536x256xf32, #tpu.memory_space<hbm>> -> memref<1024x256xf32, #tpu.memory_space<hbm>>
    tpu.wait_dma2 semaphore(%arg20 : memref<!tpu.dma_semaphore, #tpu.memory_space<semaphore_mem>>) src(%arg8 : memref<1024x256xf32, #tpu.memory_space<vmem_shared>>) dst(%dma_wait3A_264 : memref<1024x256xf32, #tpu.memory_space<hbm>>)
    %add3A_265 = arith.constant 11 : i32
    %add3A_266 = arith.addi %mul3A_0, %add3A_265 : i32
    %xor3A_267 = arith.constant 1 : i32
    %xor3A_268 = arith.xori %add3A_266, %xor3A_267 : i32
    %mul3A_269 = arith.constant 1024 : i32
    %mul3A_270 = arith.muli %xor3A_268, %mul3A_269 : i32
    %multiple_of3A_271 = tpu.assume_multiple %mul3A_270, 1024 : i32
    %dma_start3A_272 = arith.constant 0 : i32
    %dma_start3A_273 = tpu.memref_slice %arg1[%multiple_of3A_271, %dma_start3A_272] : memref<65536x256xf32, #tpu.memory_space<hbm>> -> memref<1024x256xf32, #tpu.memory_space<hbm>>
    tpu.enqueue_dma source(%dma_start3A_273 : memref<1024x256xf32, #tpu.memory_space<hbm>>) target(%arg8 : memref<1024x256xf32, #tpu.memory_space<vmem_shared>>) target_semaphore(%arg14 : memref<!tpu.dma_semaphore, #tpu.memory_space<semaphore_mem>>)
    %add3A_274 = arith.constant 8 : i32
    %add3A_275 = arith.addi %mul3A_0, %add3A_274 : i32
    %xor3A_276 = arith.constant 1 : i32
    %xor3A_277 = arith.xori %add3A_275, %xor3A_276 : i32
    %mul3A_278 = arith.constant 1024 : i32
    %mul3A_279 = arith.muli %xor3A_277, %mul3A_278 : i32
    %multiple_of3A_280 = tpu.assume_multiple %mul3A_279, 1024 : i32
    %dma_wait3A_281 = arith.constant 0 : i32
    %dma_wait3A_282 = tpu.memref_slice %arg1[%multiple_of3A_280, %dma_wait3A_281] : memref<65536x256xf32, #tpu.memory_space<hbm>> -> memref<1024x256xf32, #tpu.memory_space<hbm>>
    tpu.wait_dma2 semaphore(%arg11 : memref<!tpu.dma_semaphore, #tpu.memory_space<semaphore_mem>>) src(%dma_wait3A_282 : memref<1024x256xf32, #tpu.memory_space<hbm>>) dst(%arg5 : memref<1024x256xf32, #tpu.memory_space<vmem_shared>>)
    %add3A_283 = arith.constant 8 : i32
    %add3A_284 = arith.addi %mul3A_0, %add3A_283 : i32
    %mul3A_285 = arith.constant 1024 : i32
    %mul3A_286 = arith.muli %add3A_284, %mul3A_285 : i32
    %multiple_of3A_287 = tpu.assume_multiple %mul3A_286, 1024 : i32
    %dma_start3A_288 = arith.constant 0 : i32
    %dma_start3A_289 = tpu.memref_slice %arg2[%multiple_of3A_287, %dma_start3A_288] : memref<65536x256xf32, #tpu.memory_space<hbm>> -> memref<1024x256xf32, #tpu.memory_space<hbm>>
    tpu.enqueue_dma source(%arg5 : memref<1024x256xf32, #tpu.memory_space<vmem_shared>>) target(%dma_start3A_289 : memref<1024x256xf32, #tpu.memory_space<hbm>>) target_semaphore(%arg17 : memref<!tpu.dma_semaphore, #tpu.memory_space<semaphore_mem>>)
    %add3A_290 = arith.constant 6 : i32
    %add3A_291 = arith.addi %mul3A_0, %add3A_290 : i32
    %mul3A_292 = arith.constant 1024 : i32
    %mul3A_293 = arith.muli %add3A_291, %mul3A_292 : i32
    %multiple_of3A_294 = tpu.assume_multiple %mul3A_293, 1024 : i32
    %dma_wait3A_295 = arith.constant 0 : i32
    %dma_wait3A_296 = tpu.memref_slice %arg2[%multiple_of3A_294, %dma_wait3A_295] : memref<65536x256xf32, #tpu.memory_space<hbm>> -> memref<1024x256xf32, #tpu.memory_space<hbm>>
    tpu.wait_dma2 semaphore(%arg15 : memref<!tpu.dma_semaphore, #tpu.memory_space<semaphore_mem>>) src(%arg3 : memref<1024x256xf32, #tpu.memory_space<vmem_shared>>) dst(%dma_wait3A_296 : memref<1024x256xf32, #tpu.memory_space<hbm>>)
    %add3A_297 = arith.constant 12 : i32
    %add3A_298 = arith.addi %mul3A_0, %add3A_297 : i32
    %xor3A_299 = arith.constant 1 : i32
    %xor3A_300 = arith.xori %add3A_298, %xor3A_299 : i32
    %mul3A_301 = arith.constant 1024 : i32
    %mul3A_302 = arith.muli %xor3A_300, %mul3A_301 : i32
    %multiple_of3A_303 = tpu.assume_multiple %mul3A_302, 1024 : i32
    %dma_start3A_304 = arith.constant 0 : i32
    %dma_start3A_305 = tpu.memref_slice %arg1[%multiple_of3A_303, %dma_start3A_304] : memref<65536x256xf32, #tpu.memory_space<hbm>> -> memref<1024x256xf32, #tpu.memory_space<hbm>>
    tpu.enqueue_dma source(%dma_start3A_305 : memref<1024x256xf32, #tpu.memory_space<hbm>>) target(%arg3 : memref<1024x256xf32, #tpu.memory_space<vmem_shared>>) target_semaphore(%arg9 : memref<!tpu.dma_semaphore, #tpu.memory_space<semaphore_mem>>)
    %add3A_306 = arith.constant 9 : i32
    %add3A_307 = arith.addi %mul3A_0, %add3A_306 : i32
    %xor3A_308 = arith.constant 1 : i32
    %xor3A_309 = arith.xori %add3A_307, %xor3A_308 : i32
    %mul3A_310 = arith.constant 1024 : i32
    %mul3A_311 = arith.muli %xor3A_309, %mul3A_310 : i32
    %multiple_of3A_312 = tpu.assume_multiple %mul3A_311, 1024 : i32
    %dma_wait3A_313 = arith.constant 0 : i32
    %dma_wait3A_314 = tpu.memref_slice %arg1[%multiple_of3A_312, %dma_wait3A_313] : memref<65536x256xf32, #tpu.memory_space<hbm>> -> memref<1024x256xf32, #tpu.memory_space<hbm>>
    tpu.wait_dma2 semaphore(%arg12 : memref<!tpu.dma_semaphore, #tpu.memory_space<semaphore_mem>>) src(%dma_wait3A_314 : memref<1024x256xf32, #tpu.memory_space<hbm>>) dst(%arg6 : memref<1024x256xf32, #tpu.memory_space<vmem_shared>>)
    %add3A_315 = arith.constant 9 : i32
    %add3A_316 = arith.addi %mul3A_0, %add3A_315 : i32
    %mul3A_317 = arith.constant 1024 : i32
    %mul3A_318 = arith.muli %add3A_316, %mul3A_317 : i32
    %multiple_of3A_319 = tpu.assume_multiple %mul3A_318, 1024 : i32
    %dma_start3A_320 = arith.constant 0 : i32
    %dma_start3A_321 = tpu.memref_slice %arg2[%multiple_of3A_319, %dma_start3A_320] : memref<65536x256xf32, #tpu.memory_space<hbm>> -> memref<1024x256xf32, #tpu.memory_space<hbm>>
    tpu.enqueue_dma source(%arg6 : memref<1024x256xf32, #tpu.memory_space<vmem_shared>>) target(%dma_start3A_321 : memref<1024x256xf32, #tpu.memory_space<hbm>>) target_semaphore(%arg18 : memref<!tpu.dma_semaphore, #tpu.memory_space<semaphore_mem>>)
    %add3A_322 = arith.constant 7 : i32
    %add3A_323 = arith.addi %mul3A_0, %add3A_322 : i32
    %mul3A_324 = arith.constant 1024 : i32
    %mul3A_325 = arith.muli %add3A_323, %mul3A_324 : i32
    %multiple_of3A_326 = tpu.assume_multiple %mul3A_325, 1024 : i32
    %dma_wait3A_327 = arith.constant 0 : i32
    %dma_wait3A_328 = tpu.memref_slice %arg2[%multiple_of3A_326, %dma_wait3A_327] : memref<65536x256xf32, #tpu.memory_space<hbm>> -> memref<1024x256xf32, #tpu.memory_space<hbm>>
    tpu.wait_dma2 semaphore(%arg16 : memref<!tpu.dma_semaphore, #tpu.memory_space<semaphore_mem>>) src(%arg4 : memref<1024x256xf32, #tpu.memory_space<vmem_shared>>) dst(%dma_wait3A_328 : memref<1024x256xf32, #tpu.memory_space<hbm>>)
    %add3A_329 = arith.constant 13 : i32
    %add3A_330 = arith.addi %mul3A_0, %add3A_329 : i32
    %xor3A_331 = arith.constant 1 : i32
    %xor3A_332 = arith.xori %add3A_330, %xor3A_331 : i32
    %mul3A_333 = arith.constant 1024 : i32
    %mul3A_334 = arith.muli %xor3A_332, %mul3A_333 : i32
    %multiple_of3A_335 = tpu.assume_multiple %mul3A_334, 1024 : i32
    %dma_start3A_336 = arith.constant 0 : i32
    %dma_start3A_337 = tpu.memref_slice %arg1[%multiple_of3A_335, %dma_start3A_336] : memref<65536x256xf32, #tpu.memory_space<hbm>> -> memref<1024x256xf32, #tpu.memory_space<hbm>>
    tpu.enqueue_dma source(%dma_start3A_337 : memref<1024x256xf32, #tpu.memory_space<hbm>>) target(%arg4 : memref<1024x256xf32, #tpu.memory_space<vmem_shared>>) target_semaphore(%arg10 : memref<!tpu.dma_semaphore, #tpu.memory_space<semaphore_mem>>)
    %add3A_338 = arith.constant 10 : i32
    %add3A_339 = arith.addi %mul3A_0, %add3A_338 : i32
    %xor3A_340 = arith.constant 1 : i32
    %xor3A_341 = arith.xori %add3A_339, %xor3A_340 : i32
    %mul3A_342 = arith.constant 1024 : i32
    %mul3A_343 = arith.muli %xor3A_341, %mul3A_342 : i32
    %multiple_of3A_344 = tpu.assume_multiple %mul3A_343, 1024 : i32
    %dma_wait3A_345 = arith.constant 0 : i32
    %dma_wait3A_346 = tpu.memref_slice %arg1[%multiple_of3A_344, %dma_wait3A_345] : memref<65536x256xf32, #tpu.memory_space<hbm>> -> memref<1024x256xf32, #tpu.memory_space<hbm>>
    tpu.wait_dma2 semaphore(%arg13 : memref<!tpu.dma_semaphore, #tpu.memory_space<semaphore_mem>>) src(%dma_wait3A_346 : memref<1024x256xf32, #tpu.memory_space<hbm>>) dst(%arg7 : memref<1024x256xf32, #tpu.memory_space<vmem_shared>>)
    %add3A_347 = arith.constant 10 : i32
    %add3A_348 = arith.addi %mul3A_0, %add3A_347 : i32
    %mul3A_349 = arith.constant 1024 : i32
    %mul3A_350 = arith.muli %add3A_348, %mul3A_349 : i32
    %multiple_of3A_351 = tpu.assume_multiple %mul3A_350, 1024 : i32
    %dma_start3A_352 = arith.constant 0 : i32
    %dma_start3A_353 = tpu.memref_slice %arg2[%multiple_of3A_351, %dma_start3A_352] : memref<65536x256xf32, #tpu.memory_space<hbm>> -> memref<1024x256xf32, #tpu.memory_space<hbm>>
    tpu.enqueue_dma source(%arg7 : memref<1024x256xf32, #tpu.memory_space<vmem_shared>>) target(%dma_start3A_353 : memref<1024x256xf32, #tpu.memory_space<hbm>>) target_semaphore(%arg19 : memref<!tpu.dma_semaphore, #tpu.memory_space<semaphore_mem>>)
    %add3A_354 = arith.constant 8 : i32
    %add3A_355 = arith.addi %mul3A_0, %add3A_354 : i32
    %mul3A_356 = arith.constant 1024 : i32
    %mul3A_357 = arith.muli %add3A_355, %mul3A_356 : i32
    %multiple_of3A_358 = tpu.assume_multiple %mul3A_357, 1024 : i32
    %dma_wait3A_359 = arith.constant 0 : i32
    %dma_wait3A_360 = tpu.memref_slice %arg2[%multiple_of3A_358, %dma_wait3A_359] : memref<65536x256xf32, #tpu.memory_space<hbm>> -> memref<1024x256xf32, #tpu.memory_space<hbm>>
    tpu.wait_dma2 semaphore(%arg17 : memref<!tpu.dma_semaphore, #tpu.memory_space<semaphore_mem>>) src(%arg5 : memref<1024x256xf32, #tpu.memory_space<vmem_shared>>) dst(%dma_wait3A_360 : memref<1024x256xf32, #tpu.memory_space<hbm>>)
    %add3A_361 = arith.constant 14 : i32
    %add3A_362 = arith.addi %mul3A_0, %add3A_361 : i32
    %xor3A_363 = arith.constant 1 : i32
    %xor3A_364 = arith.xori %add3A_362, %xor3A_363 : i32
    %mul3A_365 = arith.constant 1024 : i32
    %mul3A_366 = arith.muli %xor3A_364, %mul3A_365 : i32
    %multiple_of3A_367 = tpu.assume_multiple %mul3A_366, 1024 : i32
    %dma_start3A_368 = arith.constant 0 : i32
    %dma_start3A_369 = tpu.memref_slice %arg1[%multiple_of3A_367, %dma_start3A_368] : memref<65536x256xf32, #tpu.memory_space<hbm>> -> memref<1024x256xf32, #tpu.memory_space<hbm>>
    tpu.enqueue_dma source(%dma_start3A_369 : memref<1024x256xf32, #tpu.memory_space<hbm>>) target(%arg5 : memref<1024x256xf32, #tpu.memory_space<vmem_shared>>) target_semaphore(%arg11 : memref<!tpu.dma_semaphore, #tpu.memory_space<semaphore_mem>>)
    %add3A_370 = arith.constant 11 : i32
    %add3A_371 = arith.addi %mul3A_0, %add3A_370 : i32
    %xor3A_372 = arith.constant 1 : i32
    %xor3A_373 = arith.xori %add3A_371, %xor3A_372 : i32
    %mul3A_374 = arith.constant 1024 : i32
    %mul3A_375 = arith.muli %xor3A_373, %mul3A_374 : i32
    %multiple_of3A_376 = tpu.assume_multiple %mul3A_375, 1024 : i32
    %dma_wait3A_377 = arith.constant 0 : i32
    %dma_wait3A_378 = tpu.memref_slice %arg1[%multiple_of3A_376, %dma_wait3A_377] : memref<65536x256xf32, #tpu.memory_space<hbm>> -> memref<1024x256xf32, #tpu.memory_space<hbm>>
    tpu.wait_dma2 semaphore(%arg14 : memref<!tpu.dma_semaphore, #tpu.memory_space<semaphore_mem>>) src(%dma_wait3A_378 : memref<1024x256xf32, #tpu.memory_space<hbm>>) dst(%arg8 : memref<1024x256xf32, #tpu.memory_space<vmem_shared>>)
    %add3A_379 = arith.constant 11 : i32
    %add3A_380 = arith.addi %mul3A_0, %add3A_379 : i32
    %mul3A_381 = arith.constant 1024 : i32
    %mul3A_382 = arith.muli %add3A_380, %mul3A_381 : i32
    %multiple_of3A_383 = tpu.assume_multiple %mul3A_382, 1024 : i32
    %dma_start3A_384 = arith.constant 0 : i32
    %dma_start3A_385 = tpu.memref_slice %arg2[%multiple_of3A_383, %dma_start3A_384] : memref<65536x256xf32, #tpu.memory_space<hbm>> -> memref<1024x256xf32, #tpu.memory_space<hbm>>
    tpu.enqueue_dma source(%arg8 : memref<1024x256xf32, #tpu.memory_space<vmem_shared>>) target(%dma_start3A_385 : memref<1024x256xf32, #tpu.memory_space<hbm>>) target_semaphore(%arg20 : memref<!tpu.dma_semaphore, #tpu.memory_space<semaphore_mem>>)
    %add3A_386 = arith.constant 9 : i32
    %add3A_387 = arith.addi %mul3A_0, %add3A_386 : i32
    %mul3A_388 = arith.constant 1024 : i32
    %mul3A_389 = arith.muli %add3A_387, %mul3A_388 : i32
    %multiple_of3A_390 = tpu.assume_multiple %mul3A_389, 1024 : i32
    %dma_wait3A_391 = arith.constant 0 : i32
    %dma_wait3A_392 = tpu.memref_slice %arg2[%multiple_of3A_390, %dma_wait3A_391] : memref<65536x256xf32, #tpu.memory_space<hbm>> -> memref<1024x256xf32, #tpu.memory_space<hbm>>
    tpu.wait_dma2 semaphore(%arg18 : memref<!tpu.dma_semaphore, #tpu.memory_space<semaphore_mem>>) src(%arg6 : memref<1024x256xf32, #tpu.memory_space<vmem_shared>>) dst(%dma_wait3A_392 : memref<1024x256xf32, #tpu.memory_space<hbm>>)
    %add3A_393 = arith.constant 15 : i32
    %add3A_394 = arith.addi %mul3A_0, %add3A_393 : i32
    %xor3A_395 = arith.constant 1 : i32
    %xor3A_396 = arith.xori %add3A_394, %xor3A_395 : i32
    %mul3A_397 = arith.constant 1024 : i32
    %mul3A_398 = arith.muli %xor3A_396, %mul3A_397 : i32
    %multiple_of3A_399 = tpu.assume_multiple %mul3A_398, 1024 : i32
    %dma_start3A_400 = arith.constant 0 : i32
    %dma_start3A_401 = tpu.memref_slice %arg1[%multiple_of3A_399, %dma_start3A_400] : memref<65536x256xf32, #tpu.memory_space<hbm>> -> memref<1024x256xf32, #tpu.memory_space<hbm>>
    tpu.enqueue_dma source(%dma_start3A_401 : memref<1024x256xf32, #tpu.memory_space<hbm>>) target(%arg6 : memref<1024x256xf32, #tpu.memory_space<vmem_shared>>) target_semaphore(%arg12 : memref<!tpu.dma_semaphore, #tpu.memory_space<semaphore_mem>>)
    %add3A_402 = arith.constant 12 : i32
    %add3A_403 = arith.addi %mul3A_0, %add3A_402 : i32
    %xor3A_404 = arith.constant 1 : i32
    %xor3A_405 = arith.xori %add3A_403, %xor3A_404 : i32
    %mul3A_406 = arith.constant 1024 : i32
    %mul3A_407 = arith.muli %xor3A_405, %mul3A_406 : i32
    %multiple_of3A_408 = tpu.assume_multiple %mul3A_407, 1024 : i32
    %dma_wait3A_409 = arith.constant 0 : i32
    %dma_wait3A_410 = tpu.memref_slice %arg1[%multiple_of3A_408, %dma_wait3A_409] : memref<65536x256xf32, #tpu.memory_space<hbm>> -> memref<1024x256xf32, #tpu.memory_space<hbm>>
    tpu.wait_dma2 semaphore(%arg9 : memref<!tpu.dma_semaphore, #tpu.memory_space<semaphore_mem>>) src(%dma_wait3A_410 : memref<1024x256xf32, #tpu.memory_space<hbm>>) dst(%arg3 : memref<1024x256xf32, #tpu.memory_space<vmem_shared>>)
    %add3A_411 = arith.constant 12 : i32
    %add3A_412 = arith.addi %mul3A_0, %add3A_411 : i32
    %mul3A_413 = arith.constant 1024 : i32
    %mul3A_414 = arith.muli %add3A_412, %mul3A_413 : i32
    %multiple_of3A_415 = tpu.assume_multiple %mul3A_414, 1024 : i32
    %dma_start3A_416 = arith.constant 0 : i32
    %dma_start3A_417 = tpu.memref_slice %arg2[%multiple_of3A_415, %dma_start3A_416] : memref<65536x256xf32, #tpu.memory_space<hbm>> -> memref<1024x256xf32, #tpu.memory_space<hbm>>
    tpu.enqueue_dma source(%arg3 : memref<1024x256xf32, #tpu.memory_space<vmem_shared>>) target(%dma_start3A_417 : memref<1024x256xf32, #tpu.memory_space<hbm>>) target_semaphore(%arg15 : memref<!tpu.dma_semaphore, #tpu.memory_space<semaphore_mem>>)
    %add3A_418 = arith.constant 10 : i32
    %add3A_419 = arith.addi %mul3A_0, %add3A_418 : i32
    %mul3A_420 = arith.constant 1024 : i32
    %mul3A_421 = arith.muli %add3A_419, %mul3A_420 : i32
    %multiple_of3A_422 = tpu.assume_multiple %mul3A_421, 1024 : i32
    %dma_wait3A_423 = arith.constant 0 : i32
    %dma_wait3A_424 = tpu.memref_slice %arg2[%multiple_of3A_422, %dma_wait3A_423] : memref<65536x256xf32, #tpu.memory_space<hbm>> -> memref<1024x256xf32, #tpu.memory_space<hbm>>
    tpu.wait_dma2 semaphore(%arg19 : memref<!tpu.dma_semaphore, #tpu.memory_space<semaphore_mem>>) src(%arg7 : memref<1024x256xf32, #tpu.memory_space<vmem_shared>>) dst(%dma_wait3A_424 : memref<1024x256xf32, #tpu.memory_space<hbm>>)
    %add3A_425 = arith.constant 16 : i32
    %add3A_426 = arith.addi %mul3A_0, %add3A_425 : i32
    %xor3A_427 = arith.constant 1 : i32
    %xor3A_428 = arith.xori %add3A_426, %xor3A_427 : i32
    %mul3A_429 = arith.constant 1024 : i32
    %mul3A_430 = arith.muli %xor3A_428, %mul3A_429 : i32
    %multiple_of3A_431 = tpu.assume_multiple %mul3A_430, 1024 : i32
    %dma_start3A_432 = arith.constant 0 : i32
    %dma_start3A_433 = tpu.memref_slice %arg1[%multiple_of3A_431, %dma_start3A_432] : memref<65536x256xf32, #tpu.memory_space<hbm>> -> memref<1024x256xf32, #tpu.memory_space<hbm>>
    tpu.enqueue_dma source(%dma_start3A_433 : memref<1024x256xf32, #tpu.memory_space<hbm>>) target(%arg7 : memref<1024x256xf32, #tpu.memory_space<vmem_shared>>) target_semaphore(%arg13 : memref<!tpu.dma_semaphore, #tpu.memory_space<semaphore_mem>>)
    %add3A_434 = arith.constant 13 : i32
    %add3A_435 = arith.addi %mul3A_0, %add3A_434 : i32
    %xor3A_436 = arith.constant 1 : i32
    %xor3A_437 = arith.xori %add3A_435, %xor3A_436 : i32
    %mul3A_438 = arith.constant 1024 : i32
    %mul3A_439 = arith.muli %xor3A_437, %mul3A_438 : i32
    %multiple_of3A_440 = tpu.assume_multiple %mul3A_439, 1024 : i32
    %dma_wait3A_441 = arith.constant 0 : i32
    %dma_wait3A_442 = tpu.memref_slice %arg1[%multiple_of3A_440, %dma_wait3A_441] : memref<65536x256xf32, #tpu.memory_space<hbm>> -> memref<1024x256xf32, #tpu.memory_space<hbm>>
    tpu.wait_dma2 semaphore(%arg10 : memref<!tpu.dma_semaphore, #tpu.memory_space<semaphore_mem>>) src(%dma_wait3A_442 : memref<1024x256xf32, #tpu.memory_space<hbm>>) dst(%arg4 : memref<1024x256xf32, #tpu.memory_space<vmem_shared>>)
    %add3A_443 = arith.constant 13 : i32
    %add3A_444 = arith.addi %mul3A_0, %add3A_443 : i32
    %mul3A_445 = arith.constant 1024 : i32
    %mul3A_446 = arith.muli %add3A_444, %mul3A_445 : i32
    %multiple_of3A_447 = tpu.assume_multiple %mul3A_446, 1024 : i32
    %dma_start3A_448 = arith.constant 0 : i32
    %dma_start3A_449 = tpu.memref_slice %arg2[%multiple_of3A_447, %dma_start3A_448] : memref<65536x256xf32, #tpu.memory_space<hbm>> -> memref<1024x256xf32, #tpu.memory_space<hbm>>
    tpu.enqueue_dma source(%arg4 : memref<1024x256xf32, #tpu.memory_space<vmem_shared>>) target(%dma_start3A_449 : memref<1024x256xf32, #tpu.memory_space<hbm>>) target_semaphore(%arg16 : memref<!tpu.dma_semaphore, #tpu.memory_space<semaphore_mem>>)
    %add3A_450 = arith.constant 11 : i32
    %add3A_451 = arith.addi %mul3A_0, %add3A_450 : i32
    %mul3A_452 = arith.constant 1024 : i32
    %mul3A_453 = arith.muli %add3A_451, %mul3A_452 : i32
    %multiple_of3A_454 = tpu.assume_multiple %mul3A_453, 1024 : i32
    %dma_wait3A_455 = arith.constant 0 : i32
    %dma_wait3A_456 = tpu.memref_slice %arg2[%multiple_of3A_454, %dma_wait3A_455] : memref<65536x256xf32, #tpu.memory_space<hbm>> -> memref<1024x256xf32, #tpu.memory_space<hbm>>
    tpu.wait_dma2 semaphore(%arg20 : memref<!tpu.dma_semaphore, #tpu.memory_space<semaphore_mem>>) src(%arg8 : memref<1024x256xf32, #tpu.memory_space<vmem_shared>>) dst(%dma_wait3A_456 : memref<1024x256xf32, #tpu.memory_space<hbm>>)
    %add3A_457 = arith.constant 17 : i32
    %add3A_458 = arith.addi %mul3A_0, %add3A_457 : i32
    %xor3A_459 = arith.constant 1 : i32
    %xor3A_460 = arith.xori %add3A_458, %xor3A_459 : i32
    %mul3A_461 = arith.constant 1024 : i32
    %mul3A_462 = arith.muli %xor3A_460, %mul3A_461 : i32
    %multiple_of3A_463 = tpu.assume_multiple %mul3A_462, 1024 : i32
    %dma_start3A_464 = arith.constant 0 : i32
    %dma_start3A_465 = tpu.memref_slice %arg1[%multiple_of3A_463, %dma_start3A_464] : memref<65536x256xf32, #tpu.memory_space<hbm>> -> memref<1024x256xf32, #tpu.memory_space<hbm>>
    tpu.enqueue_dma source(%dma_start3A_465 : memref<1024x256xf32, #tpu.memory_space<hbm>>) target(%arg8 : memref<1024x256xf32, #tpu.memory_space<vmem_shared>>) target_semaphore(%arg14 : memref<!tpu.dma_semaphore, #tpu.memory_space<semaphore_mem>>)
    %add3A_466 = arith.constant 14 : i32
    %add3A_467 = arith.addi %mul3A_0, %add3A_466 : i32
    %xor3A_468 = arith.constant 1 : i32
    %xor3A_469 = arith.xori %add3A_467, %xor3A_468 : i32
    %mul3A_470 = arith.constant 1024 : i32
    %mul3A_471 = arith.muli %xor3A_469, %mul3A_470 : i32
    %multiple_of3A_472 = tpu.assume_multiple %mul3A_471, 1024 : i32
    %dma_wait3A_473 = arith.constant 0 : i32
    %dma_wait3A_474 = tpu.memref_slice %arg1[%multiple_of3A_472, %dma_wait3A_473] : memref<65536x256xf32, #tpu.memory_space<hbm>> -> memref<1024x256xf32, #tpu.memory_space<hbm>>
    tpu.wait_dma2 semaphore(%arg11 : memref<!tpu.dma_semaphore, #tpu.memory_space<semaphore_mem>>) src(%dma_wait3A_474 : memref<1024x256xf32, #tpu.memory_space<hbm>>) dst(%arg5 : memref<1024x256xf32, #tpu.memory_space<vmem_shared>>)
    %add3A_475 = arith.constant 14 : i32
    %add3A_476 = arith.addi %mul3A_0, %add3A_475 : i32
    %mul3A_477 = arith.constant 1024 : i32
    %mul3A_478 = arith.muli %add3A_476, %mul3A_477 : i32
    %multiple_of3A_479 = tpu.assume_multiple %mul3A_478, 1024 : i32
    %dma_start3A_480 = arith.constant 0 : i32
    %dma_start3A_481 = tpu.memref_slice %arg2[%multiple_of3A_479, %dma_start3A_480] : memref<65536x256xf32, #tpu.memory_space<hbm>> -> memref<1024x256xf32, #tpu.memory_space<hbm>>
    tpu.enqueue_dma source(%arg5 : memref<1024x256xf32, #tpu.memory_space<vmem_shared>>) target(%dma_start3A_481 : memref<1024x256xf32, #tpu.memory_space<hbm>>) target_semaphore(%arg17 : memref<!tpu.dma_semaphore, #tpu.memory_space<semaphore_mem>>)
    %add3A_482 = arith.constant 12 : i32
    %add3A_483 = arith.addi %mul3A_0, %add3A_482 : i32
    %mul3A_484 = arith.constant 1024 : i32
    %mul3A_485 = arith.muli %add3A_483, %mul3A_484 : i32
    %multiple_of3A_486 = tpu.assume_multiple %mul3A_485, 1024 : i32
    %dma_wait3A_487 = arith.constant 0 : i32
    %dma_wait3A_488 = tpu.memref_slice %arg2[%multiple_of3A_486, %dma_wait3A_487] : memref<65536x256xf32, #tpu.memory_space<hbm>> -> memref<1024x256xf32, #tpu.memory_space<hbm>>
    tpu.wait_dma2 semaphore(%arg15 : memref<!tpu.dma_semaphore, #tpu.memory_space<semaphore_mem>>) src(%arg3 : memref<1024x256xf32, #tpu.memory_space<vmem_shared>>) dst(%dma_wait3A_488 : memref<1024x256xf32, #tpu.memory_space<hbm>>)
    %add3A_489 = arith.constant 18 : i32
    %add3A_490 = arith.addi %mul3A_0, %add3A_489 : i32
    %xor3A_491 = arith.constant 1 : i32
    %xor3A_492 = arith.xori %add3A_490, %xor3A_491 : i32
    %mul3A_493 = arith.constant 1024 : i32
    %mul3A_494 = arith.muli %xor3A_492, %mul3A_493 : i32
    %multiple_of3A_495 = tpu.assume_multiple %mul3A_494, 1024 : i32
    %dma_start3A_496 = arith.constant 0 : i32
    %dma_start3A_497 = tpu.memref_slice %arg1[%multiple_of3A_495, %dma_start3A_496] : memref<65536x256xf32, #tpu.memory_space<hbm>> -> memref<1024x256xf32, #tpu.memory_space<hbm>>
    tpu.enqueue_dma source(%dma_start3A_497 : memref<1024x256xf32, #tpu.memory_space<hbm>>) target(%arg3 : memref<1024x256xf32, #tpu.memory_space<vmem_shared>>) target_semaphore(%arg9 : memref<!tpu.dma_semaphore, #tpu.memory_space<semaphore_mem>>)
    %add3A_498 = arith.constant 15 : i32
    %add3A_499 = arith.addi %mul3A_0, %add3A_498 : i32
    %xor3A_500 = arith.constant 1 : i32
    %xor3A_501 = arith.xori %add3A_499, %xor3A_500 : i32
    %mul3A_502 = arith.constant 1024 : i32
    %mul3A_503 = arith.muli %xor3A_501, %mul3A_502 : i32
    %multiple_of3A_504 = tpu.assume_multiple %mul3A_503, 1024 : i32
    %dma_wait3A_505 = arith.constant 0 : i32
    %dma_wait3A_506 = tpu.memref_slice %arg1[%multiple_of3A_504, %dma_wait3A_505] : memref<65536x256xf32, #tpu.memory_space<hbm>> -> memref<1024x256xf32, #tpu.memory_space<hbm>>
    tpu.wait_dma2 semaphore(%arg12 : memref<!tpu.dma_semaphore, #tpu.memory_space<semaphore_mem>>) src(%dma_wait3A_506 : memref<1024x256xf32, #tpu.memory_space<hbm>>) dst(%arg6 : memref<1024x256xf32, #tpu.memory_space<vmem_shared>>)
    %add3A_507 = arith.constant 15 : i32
    %add3A_508 = arith.addi %mul3A_0, %add3A_507 : i32
    %mul3A_509 = arith.constant 1024 : i32
    %mul3A_510 = arith.muli %add3A_508, %mul3A_509 : i32
    %multiple_of3A_511 = tpu.assume_multiple %mul3A_510, 1024 : i32
    %dma_start3A_512 = arith.constant 0 : i32
    %dma_start3A_513 = tpu.memref_slice %arg2[%multiple_of3A_511, %dma_start3A_512] : memref<65536x256xf32, #tpu.memory_space<hbm>> -> memref<1024x256xf32, #tpu.memory_space<hbm>>
    tpu.enqueue_dma source(%arg6 : memref<1024x256xf32, #tpu.memory_space<vmem_shared>>) target(%dma_start3A_513 : memref<1024x256xf32, #tpu.memory_space<hbm>>) target_semaphore(%arg18 : memref<!tpu.dma_semaphore, #tpu.memory_space<semaphore_mem>>)
    %add3A_514 = arith.constant 13 : i32
    %add3A_515 = arith.addi %mul3A_0, %add3A_514 : i32
    %mul3A_516 = arith.constant 1024 : i32
    %mul3A_517 = arith.muli %add3A_515, %mul3A_516 : i32
    %multiple_of3A_518 = tpu.assume_multiple %mul3A_517, 1024 : i32
    %dma_wait3A_519 = arith.constant 0 : i32
    %dma_wait3A_520 = tpu.memref_slice %arg2[%multiple_of3A_518, %dma_wait3A_519] : memref<65536x256xf32, #tpu.memory_space<hbm>> -> memref<1024x256xf32, #tpu.memory_space<hbm>>
    tpu.wait_dma2 semaphore(%arg16 : memref<!tpu.dma_semaphore, #tpu.memory_space<semaphore_mem>>) src(%arg4 : memref<1024x256xf32, #tpu.memory_space<vmem_shared>>) dst(%dma_wait3A_520 : memref<1024x256xf32, #tpu.memory_space<hbm>>)
    %add3A_521 = arith.constant 19 : i32
    %add3A_522 = arith.addi %mul3A_0, %add3A_521 : i32
    %xor3A_523 = arith.constant 1 : i32
    %xor3A_524 = arith.xori %add3A_522, %xor3A_523 : i32
    %mul3A_525 = arith.constant 1024 : i32
    %mul3A_526 = arith.muli %xor3A_524, %mul3A_525 : i32
    %multiple_of3A_527 = tpu.assume_multiple %mul3A_526, 1024 : i32
    %dma_start3A_528 = arith.constant 0 : i32
    %dma_start3A_529 = tpu.memref_slice %arg1[%multiple_of3A_527, %dma_start3A_528] : memref<65536x256xf32, #tpu.memory_space<hbm>> -> memref<1024x256xf32, #tpu.memory_space<hbm>>
    tpu.enqueue_dma source(%dma_start3A_529 : memref<1024x256xf32, #tpu.memory_space<hbm>>) target(%arg4 : memref<1024x256xf32, #tpu.memory_space<vmem_shared>>) target_semaphore(%arg10 : memref<!tpu.dma_semaphore, #tpu.memory_space<semaphore_mem>>)
    %add3A_530 = arith.constant 16 : i32
    %add3A_531 = arith.addi %mul3A_0, %add3A_530 : i32
    %xor3A_532 = arith.constant 1 : i32
    %xor3A_533 = arith.xori %add3A_531, %xor3A_532 : i32
    %mul3A_534 = arith.constant 1024 : i32
    %mul3A_535 = arith.muli %xor3A_533, %mul3A_534 : i32
    %multiple_of3A_536 = tpu.assume_multiple %mul3A_535, 1024 : i32
    %dma_wait3A_537 = arith.constant 0 : i32
    %dma_wait3A_538 = tpu.memref_slice %arg1[%multiple_of3A_536, %dma_wait3A_537] : memref<65536x256xf32, #tpu.memory_space<hbm>> -> memref<1024x256xf32, #tpu.memory_space<hbm>>
    tpu.wait_dma2 semaphore(%arg13 : memref<!tpu.dma_semaphore, #tpu.memory_space<semaphore_mem>>) src(%dma_wait3A_538 : memref<1024x256xf32, #tpu.memory_space<hbm>>) dst(%arg7 : memref<1024x256xf32, #tpu.memory_space<vmem_shared>>)
    %add3A_539 = arith.constant 16 : i32
    %add3A_540 = arith.addi %mul3A_0, %add3A_539 : i32
    %mul3A_541 = arith.constant 1024 : i32
    %mul3A_542 = arith.muli %add3A_540, %mul3A_541 : i32
    %multiple_of3A_543 = tpu.assume_multiple %mul3A_542, 1024 : i32
    %dma_start3A_544 = arith.constant 0 : i32
    %dma_start3A_545 = tpu.memref_slice %arg2[%multiple_of3A_543, %dma_start3A_544] : memref<65536x256xf32, #tpu.memory_space<hbm>> -> memref<1024x256xf32, #tpu.memory_space<hbm>>
    tpu.enqueue_dma source(%arg7 : memref<1024x256xf32, #tpu.memory_space<vmem_shared>>) target(%dma_start3A_545 : memref<1024x256xf32, #tpu.memory_space<hbm>>) target_semaphore(%arg19 : memref<!tpu.dma_semaphore, #tpu.memory_space<semaphore_mem>>)
    %add3A_546 = arith.constant 14 : i32
    %add3A_547 = arith.addi %mul3A_0, %add3A_546 : i32
    %mul3A_548 = arith.constant 1024 : i32
    %mul3A_549 = arith.muli %add3A_547, %mul3A_548 : i32
    %multiple_of3A_550 = tpu.assume_multiple %mul3A_549, 1024 : i32
    %dma_wait3A_551 = arith.constant 0 : i32
    %dma_wait3A_552 = tpu.memref_slice %arg2[%multiple_of3A_550, %dma_wait3A_551] : memref<65536x256xf32, #tpu.memory_space<hbm>> -> memref<1024x256xf32, #tpu.memory_space<hbm>>
    tpu.wait_dma2 semaphore(%arg17 : memref<!tpu.dma_semaphore, #tpu.memory_space<semaphore_mem>>) src(%arg5 : memref<1024x256xf32, #tpu.memory_space<vmem_shared>>) dst(%dma_wait3A_552 : memref<1024x256xf32, #tpu.memory_space<hbm>>)
    %add3A_553 = arith.constant 20 : i32
    %add3A_554 = arith.addi %mul3A_0, %add3A_553 : i32
    %xor3A_555 = arith.constant 1 : i32
    %xor3A_556 = arith.xori %add3A_554, %xor3A_555 : i32
    %mul3A_557 = arith.constant 1024 : i32
    %mul3A_558 = arith.muli %xor3A_556, %mul3A_557 : i32
    %multiple_of3A_559 = tpu.assume_multiple %mul3A_558, 1024 : i32
    %dma_start3A_560 = arith.constant 0 : i32
    %dma_start3A_561 = tpu.memref_slice %arg1[%multiple_of3A_559, %dma_start3A_560] : memref<65536x256xf32, #tpu.memory_space<hbm>> -> memref<1024x256xf32, #tpu.memory_space<hbm>>
    tpu.enqueue_dma source(%dma_start3A_561 : memref<1024x256xf32, #tpu.memory_space<hbm>>) target(%arg5 : memref<1024x256xf32, #tpu.memory_space<vmem_shared>>) target_semaphore(%arg11 : memref<!tpu.dma_semaphore, #tpu.memory_space<semaphore_mem>>)
    %add3A_562 = arith.constant 17 : i32
    %add3A_563 = arith.addi %mul3A_0, %add3A_562 : i32
    %xor3A_564 = arith.constant 1 : i32
    %xor3A_565 = arith.xori %add3A_563, %xor3A_564 : i32
    %mul3A_566 = arith.constant 1024 : i32
    %mul3A_567 = arith.muli %xor3A_565, %mul3A_566 : i32
    %multiple_of3A_568 = tpu.assume_multiple %mul3A_567, 1024 : i32
    %dma_wait3A_569 = arith.constant 0 : i32
    %dma_wait3A_570 = tpu.memref_slice %arg1[%multiple_of3A_568, %dma_wait3A_569] : memref<65536x256xf32, #tpu.memory_space<hbm>> -> memref<1024x256xf32, #tpu.memory_space<hbm>>
    tpu.wait_dma2 semaphore(%arg14 : memref<!tpu.dma_semaphore, #tpu.memory_space<semaphore_mem>>) src(%dma_wait3A_570 : memref<1024x256xf32, #tpu.memory_space<hbm>>) dst(%arg8 : memref<1024x256xf32, #tpu.memory_space<vmem_shared>>)
    %add3A_571 = arith.constant 17 : i32
    %add3A_572 = arith.addi %mul3A_0, %add3A_571 : i32
    %mul3A_573 = arith.constant 1024 : i32
    %mul3A_574 = arith.muli %add3A_572, %mul3A_573 : i32
    %multiple_of3A_575 = tpu.assume_multiple %mul3A_574, 1024 : i32
    %dma_start3A_576 = arith.constant 0 : i32
    %dma_start3A_577 = tpu.memref_slice %arg2[%multiple_of3A_575, %dma_start3A_576] : memref<65536x256xf32, #tpu.memory_space<hbm>> -> memref<1024x256xf32, #tpu.memory_space<hbm>>
    tpu.enqueue_dma source(%arg8 : memref<1024x256xf32, #tpu.memory_space<vmem_shared>>) target(%dma_start3A_577 : memref<1024x256xf32, #tpu.memory_space<hbm>>) target_semaphore(%arg20 : memref<!tpu.dma_semaphore, #tpu.memory_space<semaphore_mem>>)
    %add3A_578 = arith.constant 15 : i32
    %add3A_579 = arith.addi %mul3A_0, %add3A_578 : i32
    %mul3A_580 = arith.constant 1024 : i32
    %mul3A_581 = arith.muli %add3A_579, %mul3A_580 : i32
    %multiple_of3A_582 = tpu.assume_multiple %mul3A_581, 1024 : i32
    %dma_wait3A_583 = arith.constant 0 : i32
    %dma_wait3A_584 = tpu.memref_slice %arg2[%multiple_of3A_582, %dma_wait3A_583] : memref<65536x256xf32, #tpu.memory_space<hbm>> -> memref<1024x256xf32, #tpu.memory_space<hbm>>
    tpu.wait_dma2 semaphore(%arg18 : memref<!tpu.dma_semaphore, #tpu.memory_space<semaphore_mem>>) src(%arg6 : memref<1024x256xf32, #tpu.memory_space<vmem_shared>>) dst(%dma_wait3A_584 : memref<1024x256xf32, #tpu.memory_space<hbm>>)
    %add3A_585 = arith.constant 21 : i32
    %add3A_586 = arith.addi %mul3A_0, %add3A_585 : i32
    %xor3A_587 = arith.constant 1 : i32
    %xor3A_588 = arith.xori %add3A_586, %xor3A_587 : i32
    %mul3A_589 = arith.constant 1024 : i32
    %mul3A_590 = arith.muli %xor3A_588, %mul3A_589 : i32
    %multiple_of3A_591 = tpu.assume_multiple %mul3A_590, 1024 : i32
    %dma_start3A_592 = arith.constant 0 : i32
    %dma_start3A_593 = tpu.memref_slice %arg1[%multiple_of3A_591, %dma_start3A_592] : memref<65536x256xf32, #tpu.memory_space<hbm>> -> memref<1024x256xf32, #tpu.memory_space<hbm>>
    tpu.enqueue_dma source(%dma_start3A_593 : memref<1024x256xf32, #tpu.memory_space<hbm>>) target(%arg6 : memref<1024x256xf32, #tpu.memory_space<vmem_shared>>) target_semaphore(%arg12 : memref<!tpu.dma_semaphore, #tpu.memory_space<semaphore_mem>>)
    %add3A_594 = arith.constant 18 : i32
    %add3A_595 = arith.addi %mul3A_0, %add3A_594 : i32
    %xor3A_596 = arith.constant 1 : i32
    %xor3A_597 = arith.xori %add3A_595, %xor3A_596 : i32
    %mul3A_598 = arith.constant 1024 : i32
    %mul3A_599 = arith.muli %xor3A_597, %mul3A_598 : i32
    %multiple_of3A_600 = tpu.assume_multiple %mul3A_599, 1024 : i32
    %dma_wait3A_601 = arith.constant 0 : i32
    %dma_wait3A_602 = tpu.memref_slice %arg1[%multiple_of3A_600, %dma_wait3A_601] : memref<65536x256xf32, #tpu.memory_space<hbm>> -> memref<1024x256xf32, #tpu.memory_space<hbm>>
    tpu.wait_dma2 semaphore(%arg9 : memref<!tpu.dma_semaphore, #tpu.memory_space<semaphore_mem>>) src(%dma_wait3A_602 : memref<1024x256xf32, #tpu.memory_space<hbm>>) dst(%arg3 : memref<1024x256xf32, #tpu.memory_space<vmem_shared>>)
    %add3A_603 = arith.constant 18 : i32
    %add3A_604 = arith.addi %mul3A_0, %add3A_603 : i32
    %mul3A_605 = arith.constant 1024 : i32
    %mul3A_606 = arith.muli %add3A_604, %mul3A_605 : i32
    %multiple_of3A_607 = tpu.assume_multiple %mul3A_606, 1024 : i32
    %dma_start3A_608 = arith.constant 0 : i32
    %dma_start3A_609 = tpu.memref_slice %arg2[%multiple_of3A_607, %dma_start3A_608] : memref<65536x256xf32, #tpu.memory_space<hbm>> -> memref<1024x256xf32, #tpu.memory_space<hbm>>
    tpu.enqueue_dma source(%arg3 : memref<1024x256xf32, #tpu.memory_space<vmem_shared>>) target(%dma_start3A_609 : memref<1024x256xf32, #tpu.memory_space<hbm>>) target_semaphore(%arg15 : memref<!tpu.dma_semaphore, #tpu.memory_space<semaphore_mem>>)
    %add3A_610 = arith.constant 16 : i32
    %add3A_611 = arith.addi %mul3A_0, %add3A_610 : i32
    %mul3A_612 = arith.constant 1024 : i32
    %mul3A_613 = arith.muli %add3A_611, %mul3A_612 : i32
    %multiple_of3A_614 = tpu.assume_multiple %mul3A_613, 1024 : i32
    %dma_wait3A_615 = arith.constant 0 : i32
    %dma_wait3A_616 = tpu.memref_slice %arg2[%multiple_of3A_614, %dma_wait3A_615] : memref<65536x256xf32, #tpu.memory_space<hbm>> -> memref<1024x256xf32, #tpu.memory_space<hbm>>
    tpu.wait_dma2 semaphore(%arg19 : memref<!tpu.dma_semaphore, #tpu.memory_space<semaphore_mem>>) src(%arg7 : memref<1024x256xf32, #tpu.memory_space<vmem_shared>>) dst(%dma_wait3A_616 : memref<1024x256xf32, #tpu.memory_space<hbm>>)
    %add3A_617 = arith.constant 22 : i32
    %add3A_618 = arith.addi %mul3A_0, %add3A_617 : i32
    %xor3A_619 = arith.constant 1 : i32
    %xor3A_620 = arith.xori %add3A_618, %xor3A_619 : i32
    %mul3A_621 = arith.constant 1024 : i32
    %mul3A_622 = arith.muli %xor3A_620, %mul3A_621 : i32
    %multiple_of3A_623 = tpu.assume_multiple %mul3A_622, 1024 : i32
    %dma_start3A_624 = arith.constant 0 : i32
    %dma_start3A_625 = tpu.memref_slice %arg1[%multiple_of3A_623, %dma_start3A_624] : memref<65536x256xf32, #tpu.memory_space<hbm>> -> memref<1024x256xf32, #tpu.memory_space<hbm>>
    tpu.enqueue_dma source(%dma_start3A_625 : memref<1024x256xf32, #tpu.memory_space<hbm>>) target(%arg7 : memref<1024x256xf32, #tpu.memory_space<vmem_shared>>) target_semaphore(%arg13 : memref<!tpu.dma_semaphore, #tpu.memory_space<semaphore_mem>>)
    %add3A_626 = arith.constant 19 : i32
    %add3A_627 = arith.addi %mul3A_0, %add3A_626 : i32
    %xor3A_628 = arith.constant 1 : i32
    %xor3A_629 = arith.xori %add3A_627, %xor3A_628 : i32
    %mul3A_630 = arith.constant 1024 : i32
    %mul3A_631 = arith.muli %xor3A_629, %mul3A_630 : i32
    %multiple_of3A_632 = tpu.assume_multiple %mul3A_631, 1024 : i32
    %dma_wait3A_633 = arith.constant 0 : i32
    %dma_wait3A_634 = tpu.memref_slice %arg1[%multiple_of3A_632, %dma_wait3A_633] : memref<65536x256xf32, #tpu.memory_space<hbm>> -> memref<1024x256xf32, #tpu.memory_space<hbm>>
    tpu.wait_dma2 semaphore(%arg10 : memref<!tpu.dma_semaphore, #tpu.memory_space<semaphore_mem>>) src(%dma_wait3A_634 : memref<1024x256xf32, #tpu.memory_space<hbm>>) dst(%arg4 : memref<1024x256xf32, #tpu.memory_space<vmem_shared>>)
    %add3A_635 = arith.constant 19 : i32
    %add3A_636 = arith.addi %mul3A_0, %add3A_635 : i32
    %mul3A_637 = arith.constant 1024 : i32
    %mul3A_638 = arith.muli %add3A_636, %mul3A_637 : i32
    %multiple_of3A_639 = tpu.assume_multiple %mul3A_638, 1024 : i32
    %dma_start3A_640 = arith.constant 0 : i32
    %dma_start3A_641 = tpu.memref_slice %arg2[%multiple_of3A_639, %dma_start3A_640] : memref<65536x256xf32, #tpu.memory_space<hbm>> -> memref<1024x256xf32, #tpu.memory_space<hbm>>
    tpu.enqueue_dma source(%arg4 : memref<1024x256xf32, #tpu.memory_space<vmem_shared>>) target(%dma_start3A_641 : memref<1024x256xf32, #tpu.memory_space<hbm>>) target_semaphore(%arg16 : memref<!tpu.dma_semaphore, #tpu.memory_space<semaphore_mem>>)
    %add3A_642 = arith.constant 17 : i32
    %add3A_643 = arith.addi %mul3A_0, %add3A_642 : i32
    %mul3A_644 = arith.constant 1024 : i32
    %mul3A_645 = arith.muli %add3A_643, %mul3A_644 : i32
    %multiple_of3A_646 = tpu.assume_multiple %mul3A_645, 1024 : i32
    %dma_wait3A_647 = arith.constant 0 : i32
    %dma_wait3A_648 = tpu.memref_slice %arg2[%multiple_of3A_646, %dma_wait3A_647] : memref<65536x256xf32, #tpu.memory_space<hbm>> -> memref<1024x256xf32, #tpu.memory_space<hbm>>
    tpu.wait_dma2 semaphore(%arg20 : memref<!tpu.dma_semaphore, #tpu.memory_space<semaphore_mem>>) src(%arg8 : memref<1024x256xf32, #tpu.memory_space<vmem_shared>>) dst(%dma_wait3A_648 : memref<1024x256xf32, #tpu.memory_space<hbm>>)
    %add3A_649 = arith.constant 23 : i32
    %add3A_650 = arith.addi %mul3A_0, %add3A_649 : i32
    %xor3A_651 = arith.constant 1 : i32
    %xor3A_652 = arith.xori %add3A_650, %xor3A_651 : i32
    %mul3A_653 = arith.constant 1024 : i32
    %mul3A_654 = arith.muli %xor3A_652, %mul3A_653 : i32
    %multiple_of3A_655 = tpu.assume_multiple %mul3A_654, 1024 : i32
    %dma_start3A_656 = arith.constant 0 : i32
    %dma_start3A_657 = tpu.memref_slice %arg1[%multiple_of3A_655, %dma_start3A_656] : memref<65536x256xf32, #tpu.memory_space<hbm>> -> memref<1024x256xf32, #tpu.memory_space<hbm>>
    tpu.enqueue_dma source(%dma_start3A_657 : memref<1024x256xf32, #tpu.memory_space<hbm>>) target(%arg8 : memref<1024x256xf32, #tpu.memory_space<vmem_shared>>) target_semaphore(%arg14 : memref<!tpu.dma_semaphore, #tpu.memory_space<semaphore_mem>>)
    %add3A_658 = arith.constant 20 : i32
    %add3A_659 = arith.addi %mul3A_0, %add3A_658 : i32
    %xor3A_660 = arith.constant 1 : i32
    %xor3A_661 = arith.xori %add3A_659, %xor3A_660 : i32
    %mul3A_662 = arith.constant 1024 : i32
    %mul3A_663 = arith.muli %xor3A_661, %mul3A_662 : i32
    %multiple_of3A_664 = tpu.assume_multiple %mul3A_663, 1024 : i32
    %dma_wait3A_665 = arith.constant 0 : i32
    %dma_wait3A_666 = tpu.memref_slice %arg1[%multiple_of3A_664, %dma_wait3A_665] : memref<65536x256xf32, #tpu.memory_space<hbm>> -> memref<1024x256xf32, #tpu.memory_space<hbm>>
    tpu.wait_dma2 semaphore(%arg11 : memref<!tpu.dma_semaphore, #tpu.memory_space<semaphore_mem>>) src(%dma_wait3A_666 : memref<1024x256xf32, #tpu.memory_space<hbm>>) dst(%arg5 : memref<1024x256xf32, #tpu.memory_space<vmem_shared>>)
    %add3A_667 = arith.constant 20 : i32
    %add3A_668 = arith.addi %mul3A_0, %add3A_667 : i32
    %mul3A_669 = arith.constant 1024 : i32
    %mul3A_670 = arith.muli %add3A_668, %mul3A_669 : i32
    %multiple_of3A_671 = tpu.assume_multiple %mul3A_670, 1024 : i32
    %dma_start3A_672 = arith.constant 0 : i32
    %dma_start3A_673 = tpu.memref_slice %arg2[%multiple_of3A_671, %dma_start3A_672] : memref<65536x256xf32, #tpu.memory_space<hbm>> -> memref<1024x256xf32, #tpu.memory_space<hbm>>
    tpu.enqueue_dma source(%arg5 : memref<1024x256xf32, #tpu.memory_space<vmem_shared>>) target(%dma_start3A_673 : memref<1024x256xf32, #tpu.memory_space<hbm>>) target_semaphore(%arg17 : memref<!tpu.dma_semaphore, #tpu.memory_space<semaphore_mem>>)
    %add3A_674 = arith.constant 18 : i32
    %add3A_675 = arith.addi %mul3A_0, %add3A_674 : i32
    %mul3A_676 = arith.constant 1024 : i32
    %mul3A_677 = arith.muli %add3A_675, %mul3A_676 : i32
    %multiple_of3A_678 = tpu.assume_multiple %mul3A_677, 1024 : i32
    %dma_wait3A_679 = arith.constant 0 : i32
    %dma_wait3A_680 = tpu.memref_slice %arg2[%multiple_of3A_678, %dma_wait3A_679] : memref<65536x256xf32, #tpu.memory_space<hbm>> -> memref<1024x256xf32, #tpu.memory_space<hbm>>
    tpu.wait_dma2 semaphore(%arg15 : memref<!tpu.dma_semaphore, #tpu.memory_space<semaphore_mem>>) src(%arg3 : memref<1024x256xf32, #tpu.memory_space<vmem_shared>>) dst(%dma_wait3A_680 : memref<1024x256xf32, #tpu.memory_space<hbm>>)
    %add3A_681 = arith.constant 24 : i32
    %add3A_682 = arith.addi %mul3A_0, %add3A_681 : i32
    %xor3A_683 = arith.constant 1 : i32
    %xor3A_684 = arith.xori %add3A_682, %xor3A_683 : i32
    %mul3A_685 = arith.constant 1024 : i32
    %mul3A_686 = arith.muli %xor3A_684, %mul3A_685 : i32
    %multiple_of3A_687 = tpu.assume_multiple %mul3A_686, 1024 : i32
    %dma_start3A_688 = arith.constant 0 : i32
    %dma_start3A_689 = tpu.memref_slice %arg1[%multiple_of3A_687, %dma_start3A_688] : memref<65536x256xf32, #tpu.memory_space<hbm>> -> memref<1024x256xf32, #tpu.memory_space<hbm>>
    tpu.enqueue_dma source(%dma_start3A_689 : memref<1024x256xf32, #tpu.memory_space<hbm>>) target(%arg3 : memref<1024x256xf32, #tpu.memory_space<vmem_shared>>) target_semaphore(%arg9 : memref<!tpu.dma_semaphore, #tpu.memory_space<semaphore_mem>>)
    %add3A_690 = arith.constant 21 : i32
    %add3A_691 = arith.addi %mul3A_0, %add3A_690 : i32
    %xor3A_692 = arith.constant 1 : i32
    %xor3A_693 = arith.xori %add3A_691, %xor3A_692 : i32
    %mul3A_694 = arith.constant 1024 : i32
    %mul3A_695 = arith.muli %xor3A_693, %mul3A_694 : i32
    %multiple_of3A_696 = tpu.assume_multiple %mul3A_695, 1024 : i32
    %dma_wait3A_697 = arith.constant 0 : i32
    %dma_wait3A_698 = tpu.memref_slice %arg1[%multiple_of3A_696, %dma_wait3A_697] : memref<65536x256xf32, #tpu.memory_space<hbm>> -> memref<1024x256xf32, #tpu.memory_space<hbm>>
    tpu.wait_dma2 semaphore(%arg12 : memref<!tpu.dma_semaphore, #tpu.memory_space<semaphore_mem>>) src(%dma_wait3A_698 : memref<1024x256xf32, #tpu.memory_space<hbm>>) dst(%arg6 : memref<1024x256xf32, #tpu.memory_space<vmem_shared>>)
    %add3A_699 = arith.constant 21 : i32
    %add3A_700 = arith.addi %mul3A_0, %add3A_699 : i32
    %mul3A_701 = arith.constant 1024 : i32
    %mul3A_702 = arith.muli %add3A_700, %mul3A_701 : i32
    %multiple_of3A_703 = tpu.assume_multiple %mul3A_702, 1024 : i32
    %dma_start3A_704 = arith.constant 0 : i32
    %dma_start3A_705 = tpu.memref_slice %arg2[%multiple_of3A_703, %dma_start3A_704] : memref<65536x256xf32, #tpu.memory_space<hbm>> -> memref<1024x256xf32, #tpu.memory_space<hbm>>
    tpu.enqueue_dma source(%arg6 : memref<1024x256xf32, #tpu.memory_space<vmem_shared>>) target(%dma_start3A_705 : memref<1024x256xf32, #tpu.memory_space<hbm>>) target_semaphore(%arg18 : memref<!tpu.dma_semaphore, #tpu.memory_space<semaphore_mem>>)
    %add3A_706 = arith.constant 19 : i32
    %add3A_707 = arith.addi %mul3A_0, %add3A_706 : i32
    %mul3A_708 = arith.constant 1024 : i32
    %mul3A_709 = arith.muli %add3A_707, %mul3A_708 : i32
    %multiple_of3A_710 = tpu.assume_multiple %mul3A_709, 1024 : i32
    %dma_wait3A_711 = arith.constant 0 : i32
    %dma_wait3A_712 = tpu.memref_slice %arg2[%multiple_of3A_710, %dma_wait3A_711] : memref<65536x256xf32, #tpu.memory_space<hbm>> -> memref<1024x256xf32, #tpu.memory_space<hbm>>
    tpu.wait_dma2 semaphore(%arg16 : memref<!tpu.dma_semaphore, #tpu.memory_space<semaphore_mem>>) src(%arg4 : memref<1024x256xf32, #tpu.memory_space<vmem_shared>>) dst(%dma_wait3A_712 : memref<1024x256xf32, #tpu.memory_space<hbm>>)
    %add3A_713 = arith.constant 25 : i32
    %add3A_714 = arith.addi %mul3A_0, %add3A_713 : i32
    %xor3A_715 = arith.constant 1 : i32
    %xor3A_716 = arith.xori %add3A_714, %xor3A_715 : i32
    %mul3A_717 = arith.constant 1024 : i32
    %mul3A_718 = arith.muli %xor3A_716, %mul3A_717 : i32
    %multiple_of3A_719 = tpu.assume_multiple %mul3A_718, 1024 : i32
    %dma_start3A_720 = arith.constant 0 : i32
    %dma_start3A_721 = tpu.memref_slice %arg1[%multiple_of3A_719, %dma_start3A_720] : memref<65536x256xf32, #tpu.memory_space<hbm>> -> memref<1024x256xf32, #tpu.memory_space<hbm>>
    tpu.enqueue_dma source(%dma_start3A_721 : memref<1024x256xf32, #tpu.memory_space<hbm>>) target(%arg4 : memref<1024x256xf32, #tpu.memory_space<vmem_shared>>) target_semaphore(%arg10 : memref<!tpu.dma_semaphore, #tpu.memory_space<semaphore_mem>>)
    %add3A_722 = arith.constant 22 : i32
    %add3A_723 = arith.addi %mul3A_0, %add3A_722 : i32
    %xor3A_724 = arith.constant 1 : i32
    %xor3A_725 = arith.xori %add3A_723, %xor3A_724 : i32
    %mul3A_726 = arith.constant 1024 : i32
    %mul3A_727 = arith.muli %xor3A_725, %mul3A_726 : i32
    %multiple_of3A_728 = tpu.assume_multiple %mul3A_727, 1024 : i32
    %dma_wait3A_729 = arith.constant 0 : i32
    %dma_wait3A_730 = tpu.memref_slice %arg1[%multiple_of3A_728, %dma_wait3A_729] : memref<65536x256xf32, #tpu.memory_space<hbm>> -> memref<1024x256xf32, #tpu.memory_space<hbm>>
    tpu.wait_dma2 semaphore(%arg13 : memref<!tpu.dma_semaphore, #tpu.memory_space<semaphore_mem>>) src(%dma_wait3A_730 : memref<1024x256xf32, #tpu.memory_space<hbm>>) dst(%arg7 : memref<1024x256xf32, #tpu.memory_space<vmem_shared>>)
    %add3A_731 = arith.constant 22 : i32
    %add3A_732 = arith.addi %mul3A_0, %add3A_731 : i32
    %mul3A_733 = arith.constant 1024 : i32
    %mul3A_734 = arith.muli %add3A_732, %mul3A_733 : i32
    %multiple_of3A_735 = tpu.assume_multiple %mul3A_734, 1024 : i32
    %dma_start3A_736 = arith.constant 0 : i32
    %dma_start3A_737 = tpu.memref_slice %arg2[%multiple_of3A_735, %dma_start3A_736] : memref<65536x256xf32, #tpu.memory_space<hbm>> -> memref<1024x256xf32, #tpu.memory_space<hbm>>
    tpu.enqueue_dma source(%arg7 : memref<1024x256xf32, #tpu.memory_space<vmem_shared>>) target(%dma_start3A_737 : memref<1024x256xf32, #tpu.memory_space<hbm>>) target_semaphore(%arg19 : memref<!tpu.dma_semaphore, #tpu.memory_space<semaphore_mem>>)
    %add3A_738 = arith.constant 20 : i32
    %add3A_739 = arith.addi %mul3A_0, %add3A_738 : i32
    %mul3A_740 = arith.constant 1024 : i32
    %mul3A_741 = arith.muli %add3A_739, %mul3A_740 : i32
    %multiple_of3A_742 = tpu.assume_multiple %mul3A_741, 1024 : i32
    %dma_wait3A_743 = arith.constant 0 : i32
    %dma_wait3A_744 = tpu.memref_slice %arg2[%multiple_of3A_742, %dma_wait3A_743] : memref<65536x256xf32, #tpu.memory_space<hbm>> -> memref<1024x256xf32, #tpu.memory_space<hbm>>
    tpu.wait_dma2 semaphore(%arg17 : memref<!tpu.dma_semaphore, #tpu.memory_space<semaphore_mem>>) src(%arg5 : memref<1024x256xf32, #tpu.memory_space<vmem_shared>>) dst(%dma_wait3A_744 : memref<1024x256xf32, #tpu.memory_space<hbm>>)
    %add3A_745 = arith.constant 26 : i32
    %add3A_746 = arith.addi %mul3A_0, %add3A_745 : i32
    %xor3A_747 = arith.constant 1 : i32
    %xor3A_748 = arith.xori %add3A_746, %xor3A_747 : i32
    %mul3A_749 = arith.constant 1024 : i32
    %mul3A_750 = arith.muli %xor3A_748, %mul3A_749 : i32
    %multiple_of3A_751 = tpu.assume_multiple %mul3A_750, 1024 : i32
    %dma_start3A_752 = arith.constant 0 : i32
    %dma_start3A_753 = tpu.memref_slice %arg1[%multiple_of3A_751, %dma_start3A_752] : memref<65536x256xf32, #tpu.memory_space<hbm>> -> memref<1024x256xf32, #tpu.memory_space<hbm>>
    tpu.enqueue_dma source(%dma_start3A_753 : memref<1024x256xf32, #tpu.memory_space<hbm>>) target(%arg5 : memref<1024x256xf32, #tpu.memory_space<vmem_shared>>) target_semaphore(%arg11 : memref<!tpu.dma_semaphore, #tpu.memory_space<semaphore_mem>>)
    %add3A_754 = arith.constant 23 : i32
    %add3A_755 = arith.addi %mul3A_0, %add3A_754 : i32
    %xor3A_756 = arith.constant 1 : i32
    %xor3A_757 = arith.xori %add3A_755, %xor3A_756 : i32
    %mul3A_758 = arith.constant 1024 : i32
    %mul3A_759 = arith.muli %xor3A_757, %mul3A_758 : i32
    %multiple_of3A_760 = tpu.assume_multiple %mul3A_759, 1024 : i32
    %dma_wait3A_761 = arith.constant 0 : i32
    %dma_wait3A_762 = tpu.memref_slice %arg1[%multiple_of3A_760, %dma_wait3A_761] : memref<65536x256xf32, #tpu.memory_space<hbm>> -> memref<1024x256xf32, #tpu.memory_space<hbm>>
    tpu.wait_dma2 semaphore(%arg14 : memref<!tpu.dma_semaphore, #tpu.memory_space<semaphore_mem>>) src(%dma_wait3A_762 : memref<1024x256xf32, #tpu.memory_space<hbm>>) dst(%arg8 : memref<1024x256xf32, #tpu.memory_space<vmem_shared>>)
    %add3A_763 = arith.constant 23 : i32
    %add3A_764 = arith.addi %mul3A_0, %add3A_763 : i32
    %mul3A_765 = arith.constant 1024 : i32
    %mul3A_766 = arith.muli %add3A_764, %mul3A_765 : i32
    %multiple_of3A_767 = tpu.assume_multiple %mul3A_766, 1024 : i32
    %dma_start3A_768 = arith.constant 0 : i32
    %dma_start3A_769 = tpu.memref_slice %arg2[%multiple_of3A_767, %dma_start3A_768] : memref<65536x256xf32, #tpu.memory_space<hbm>> -> memref<1024x256xf32, #tpu.memory_space<hbm>>
    tpu.enqueue_dma source(%arg8 : memref<1024x256xf32, #tpu.memory_space<vmem_shared>>) target(%dma_start3A_769 : memref<1024x256xf32, #tpu.memory_space<hbm>>) target_semaphore(%arg20 : memref<!tpu.dma_semaphore, #tpu.memory_space<semaphore_mem>>)
    %add3A_770 = arith.constant 21 : i32
    %add3A_771 = arith.addi %mul3A_0, %add3A_770 : i32
    %mul3A_772 = arith.constant 1024 : i32
    %mul3A_773 = arith.muli %add3A_771, %mul3A_772 : i32
    %multiple_of3A_774 = tpu.assume_multiple %mul3A_773, 1024 : i32
    %dma_wait3A_775 = arith.constant 0 : i32
    %dma_wait3A_776 = tpu.memref_slice %arg2[%multiple_of3A_774, %dma_wait3A_775] : memref<65536x256xf32, #tpu.memory_space<hbm>> -> memref<1024x256xf32, #tpu.memory_space<hbm>>
    tpu.wait_dma2 semaphore(%arg18 : memref<!tpu.dma_semaphore, #tpu.memory_space<semaphore_mem>>) src(%arg6 : memref<1024x256xf32, #tpu.memory_space<vmem_shared>>) dst(%dma_wait3A_776 : memref<1024x256xf32, #tpu.memory_space<hbm>>)
    %add3A_777 = arith.constant 27 : i32
    %add3A_778 = arith.addi %mul3A_0, %add3A_777 : i32
    %xor3A_779 = arith.constant 1 : i32
    %xor3A_780 = arith.xori %add3A_778, %xor3A_779 : i32
    %mul3A_781 = arith.constant 1024 : i32
    %mul3A_782 = arith.muli %xor3A_780, %mul3A_781 : i32
    %multiple_of3A_783 = tpu.assume_multiple %mul3A_782, 1024 : i32
    %dma_start3A_784 = arith.constant 0 : i32
    %dma_start3A_785 = tpu.memref_slice %arg1[%multiple_of3A_783, %dma_start3A_784] : memref<65536x256xf32, #tpu.memory_space<hbm>> -> memref<1024x256xf32, #tpu.memory_space<hbm>>
    tpu.enqueue_dma source(%dma_start3A_785 : memref<1024x256xf32, #tpu.memory_space<hbm>>) target(%arg6 : memref<1024x256xf32, #tpu.memory_space<vmem_shared>>) target_semaphore(%arg12 : memref<!tpu.dma_semaphore, #tpu.memory_space<semaphore_mem>>)
    %add3A_786 = arith.constant 24 : i32
    %add3A_787 = arith.addi %mul3A_0, %add3A_786 : i32
    %xor3A_788 = arith.constant 1 : i32
    %xor3A_789 = arith.xori %add3A_787, %xor3A_788 : i32
    %mul3A_790 = arith.constant 1024 : i32
    %mul3A_791 = arith.muli %xor3A_789, %mul3A_790 : i32
    %multiple_of3A_792 = tpu.assume_multiple %mul3A_791, 1024 : i32
    %dma_wait3A_793 = arith.constant 0 : i32
    %dma_wait3A_794 = tpu.memref_slice %arg1[%multiple_of3A_792, %dma_wait3A_793] : memref<65536x256xf32, #tpu.memory_space<hbm>> -> memref<1024x256xf32, #tpu.memory_space<hbm>>
    tpu.wait_dma2 semaphore(%arg9 : memref<!tpu.dma_semaphore, #tpu.memory_space<semaphore_mem>>) src(%dma_wait3A_794 : memref<1024x256xf32, #tpu.memory_space<hbm>>) dst(%arg3 : memref<1024x256xf32, #tpu.memory_space<vmem_shared>>)
    %add3A_795 = arith.constant 24 : i32
    %add3A_796 = arith.addi %mul3A_0, %add3A_795 : i32
    %mul3A_797 = arith.constant 1024 : i32
    %mul3A_798 = arith.muli %add3A_796, %mul3A_797 : i32
    %multiple_of3A_799 = tpu.assume_multiple %mul3A_798, 1024 : i32
    %dma_start3A_800 = arith.constant 0 : i32
    %dma_start3A_801 = tpu.memref_slice %arg2[%multiple_of3A_799, %dma_start3A_800] : memref<65536x256xf32, #tpu.memory_space<hbm>> -> memref<1024x256xf32, #tpu.memory_space<hbm>>
    tpu.enqueue_dma source(%arg3 : memref<1024x256xf32, #tpu.memory_space<vmem_shared>>) target(%dma_start3A_801 : memref<1024x256xf32, #tpu.memory_space<hbm>>) target_semaphore(%arg15 : memref<!tpu.dma_semaphore, #tpu.memory_space<semaphore_mem>>)
    %add3A_802 = arith.constant 22 : i32
    %add3A_803 = arith.addi %mul3A_0, %add3A_802 : i32
    %mul3A_804 = arith.constant 1024 : i32
    %mul3A_805 = arith.muli %add3A_803, %mul3A_804 : i32
    %multiple_of3A_806 = tpu.assume_multiple %mul3A_805, 1024 : i32
    %dma_wait3A_807 = arith.constant 0 : i32
    %dma_wait3A_808 = tpu.memref_slice %arg2[%multiple_of3A_806, %dma_wait3A_807] : memref<65536x256xf32, #tpu.memory_space<hbm>> -> memref<1024x256xf32, #tpu.memory_space<hbm>>
    tpu.wait_dma2 semaphore(%arg19 : memref<!tpu.dma_semaphore, #tpu.memory_space<semaphore_mem>>) src(%arg7 : memref<1024x256xf32, #tpu.memory_space<vmem_shared>>) dst(%dma_wait3A_808 : memref<1024x256xf32, #tpu.memory_space<hbm>>)
    %add3A_809 = arith.constant 28 : i32
    %add3A_810 = arith.addi %mul3A_0, %add3A_809 : i32
    %xor3A_811 = arith.constant 1 : i32
    %xor3A_812 = arith.xori %add3A_810, %xor3A_811 : i32
    %mul3A_813 = arith.constant 1024 : i32
    %mul3A_814 = arith.muli %xor3A_812, %mul3A_813 : i32
    %multiple_of3A_815 = tpu.assume_multiple %mul3A_814, 1024 : i32
    %dma_start3A_816 = arith.constant 0 : i32
    %dma_start3A_817 = tpu.memref_slice %arg1[%multiple_of3A_815, %dma_start3A_816] : memref<65536x256xf32, #tpu.memory_space<hbm>> -> memref<1024x256xf32, #tpu.memory_space<hbm>>
    tpu.enqueue_dma source(%dma_start3A_817 : memref<1024x256xf32, #tpu.memory_space<hbm>>) target(%arg7 : memref<1024x256xf32, #tpu.memory_space<vmem_shared>>) target_semaphore(%arg13 : memref<!tpu.dma_semaphore, #tpu.memory_space<semaphore_mem>>)
    %add3A_818 = arith.constant 25 : i32
    %add3A_819 = arith.addi %mul3A_0, %add3A_818 : i32
    %xor3A_820 = arith.constant 1 : i32
    %xor3A_821 = arith.xori %add3A_819, %xor3A_820 : i32
    %mul3A_822 = arith.constant 1024 : i32
    %mul3A_823 = arith.muli %xor3A_821, %mul3A_822 : i32
    %multiple_of3A_824 = tpu.assume_multiple %mul3A_823, 1024 : i32
    %dma_wait3A_825 = arith.constant 0 : i32
    %dma_wait3A_826 = tpu.memref_slice %arg1[%multiple_of3A_824, %dma_wait3A_825] : memref<65536x256xf32, #tpu.memory_space<hbm>> -> memref<1024x256xf32, #tpu.memory_space<hbm>>
    tpu.wait_dma2 semaphore(%arg10 : memref<!tpu.dma_semaphore, #tpu.memory_space<semaphore_mem>>) src(%dma_wait3A_826 : memref<1024x256xf32, #tpu.memory_space<hbm>>) dst(%arg4 : memref<1024x256xf32, #tpu.memory_space<vmem_shared>>)
    %add3A_827 = arith.constant 25 : i32
    %add3A_828 = arith.addi %mul3A_0, %add3A_827 : i32
    %mul3A_829 = arith.constant 1024 : i32
    %mul3A_830 = arith.muli %add3A_828, %mul3A_829 : i32
    %multiple_of3A_831 = tpu.assume_multiple %mul3A_830, 1024 : i32
    %dma_start3A_832 = arith.constant 0 : i32
    %dma_start3A_833 = tpu.memref_slice %arg2[%multiple_of3A_831, %dma_start3A_832] : memref<65536x256xf32, #tpu.memory_space<hbm>> -> memref<1024x256xf32, #tpu.memory_space<hbm>>
    tpu.enqueue_dma source(%arg4 : memref<1024x256xf32, #tpu.memory_space<vmem_shared>>) target(%dma_start3A_833 : memref<1024x256xf32, #tpu.memory_space<hbm>>) target_semaphore(%arg16 : memref<!tpu.dma_semaphore, #tpu.memory_space<semaphore_mem>>)
    %add3A_834 = arith.constant 23 : i32
    %add3A_835 = arith.addi %mul3A_0, %add3A_834 : i32
    %mul3A_836 = arith.constant 1024 : i32
    %mul3A_837 = arith.muli %add3A_835, %mul3A_836 : i32
    %multiple_of3A_838 = tpu.assume_multiple %mul3A_837, 1024 : i32
    %dma_wait3A_839 = arith.constant 0 : i32
    %dma_wait3A_840 = tpu.memref_slice %arg2[%multiple_of3A_838, %dma_wait3A_839] : memref<65536x256xf32, #tpu.memory_space<hbm>> -> memref<1024x256xf32, #tpu.memory_space<hbm>>
    tpu.wait_dma2 semaphore(%arg20 : memref<!tpu.dma_semaphore, #tpu.memory_space<semaphore_mem>>) src(%arg8 : memref<1024x256xf32, #tpu.memory_space<vmem_shared>>) dst(%dma_wait3A_840 : memref<1024x256xf32, #tpu.memory_space<hbm>>)
    %add3A_841 = arith.constant 29 : i32
    %add3A_842 = arith.addi %mul3A_0, %add3A_841 : i32
    %xor3A_843 = arith.constant 1 : i32
    %xor3A_844 = arith.xori %add3A_842, %xor3A_843 : i32
    %mul3A_845 = arith.constant 1024 : i32
    %mul3A_846 = arith.muli %xor3A_844, %mul3A_845 : i32
    %multiple_of3A_847 = tpu.assume_multiple %mul3A_846, 1024 : i32
    %dma_start3A_848 = arith.constant 0 : i32
    %dma_start3A_849 = tpu.memref_slice %arg1[%multiple_of3A_847, %dma_start3A_848] : memref<65536x256xf32, #tpu.memory_space<hbm>> -> memref<1024x256xf32, #tpu.memory_space<hbm>>
    tpu.enqueue_dma source(%dma_start3A_849 : memref<1024x256xf32, #tpu.memory_space<hbm>>) target(%arg8 : memref<1024x256xf32, #tpu.memory_space<vmem_shared>>) target_semaphore(%arg14 : memref<!tpu.dma_semaphore, #tpu.memory_space<semaphore_mem>>)
    %add3A_850 = arith.constant 26 : i32
    %add3A_851 = arith.addi %mul3A_0, %add3A_850 : i32
    %xor3A_852 = arith.constant 1 : i32
    %xor3A_853 = arith.xori %add3A_851, %xor3A_852 : i32
    %mul3A_854 = arith.constant 1024 : i32
    %mul3A_855 = arith.muli %xor3A_853, %mul3A_854 : i32
    %multiple_of3A_856 = tpu.assume_multiple %mul3A_855, 1024 : i32
    %dma_wait3A_857 = arith.constant 0 : i32
    %dma_wait3A_858 = tpu.memref_slice %arg1[%multiple_of3A_856, %dma_wait3A_857] : memref<65536x256xf32, #tpu.memory_space<hbm>> -> memref<1024x256xf32, #tpu.memory_space<hbm>>
    tpu.wait_dma2 semaphore(%arg11 : memref<!tpu.dma_semaphore, #tpu.memory_space<semaphore_mem>>) src(%dma_wait3A_858 : memref<1024x256xf32, #tpu.memory_space<hbm>>) dst(%arg5 : memref<1024x256xf32, #tpu.memory_space<vmem_shared>>)
    %add3A_859 = arith.constant 26 : i32
    %add3A_860 = arith.addi %mul3A_0, %add3A_859 : i32
    %mul3A_861 = arith.constant 1024 : i32
    %mul3A_862 = arith.muli %add3A_860, %mul3A_861 : i32
    %multiple_of3A_863 = tpu.assume_multiple %mul3A_862, 1024 : i32
    %dma_start3A_864 = arith.constant 0 : i32
    %dma_start3A_865 = tpu.memref_slice %arg2[%multiple_of3A_863, %dma_start3A_864] : memref<65536x256xf32, #tpu.memory_space<hbm>> -> memref<1024x256xf32, #tpu.memory_space<hbm>>
    tpu.enqueue_dma source(%arg5 : memref<1024x256xf32, #tpu.memory_space<vmem_shared>>) target(%dma_start3A_865 : memref<1024x256xf32, #tpu.memory_space<hbm>>) target_semaphore(%arg17 : memref<!tpu.dma_semaphore, #tpu.memory_space<semaphore_mem>>)
    %add3A_866 = arith.constant 24 : i32
    %add3A_867 = arith.addi %mul3A_0, %add3A_866 : i32
    %mul3A_868 = arith.constant 1024 : i32
    %mul3A_869 = arith.muli %add3A_867, %mul3A_868 : i32
    %multiple_of3A_870 = tpu.assume_multiple %mul3A_869, 1024 : i32
    %dma_wait3A_871 = arith.constant 0 : i32
    %dma_wait3A_872 = tpu.memref_slice %arg2[%multiple_of3A_870, %dma_wait3A_871] : memref<65536x256xf32, #tpu.memory_space<hbm>> -> memref<1024x256xf32, #tpu.memory_space<hbm>>
    tpu.wait_dma2 semaphore(%arg15 : memref<!tpu.dma_semaphore, #tpu.memory_space<semaphore_mem>>) src(%arg3 : memref<1024x256xf32, #tpu.memory_space<vmem_shared>>) dst(%dma_wait3A_872 : memref<1024x256xf32, #tpu.memory_space<hbm>>)
    %add3A_873 = arith.constant 30 : i32
    %add3A_874 = arith.addi %mul3A_0, %add3A_873 : i32
    %xor3A_875 = arith.constant 1 : i32
    %xor3A_876 = arith.xori %add3A_874, %xor3A_875 : i32
    %mul3A_877 = arith.constant 1024 : i32
    %mul3A_878 = arith.muli %xor3A_876, %mul3A_877 : i32
    %multiple_of3A_879 = tpu.assume_multiple %mul3A_878, 1024 : i32
    %dma_start3A_880 = arith.constant 0 : i32
    %dma_start3A_881 = tpu.memref_slice %arg1[%multiple_of3A_879, %dma_start3A_880] : memref<65536x256xf32, #tpu.memory_space<hbm>> -> memref<1024x256xf32, #tpu.memory_space<hbm>>
    tpu.enqueue_dma source(%dma_start3A_881 : memref<1024x256xf32, #tpu.memory_space<hbm>>) target(%arg3 : memref<1024x256xf32, #tpu.memory_space<vmem_shared>>) target_semaphore(%arg9 : memref<!tpu.dma_semaphore, #tpu.memory_space<semaphore_mem>>)
    %add3A_882 = arith.constant 27 : i32
    %add3A_883 = arith.addi %mul3A_0, %add3A_882 : i32
    %xor3A_884 = arith.constant 1 : i32
    %xor3A_885 = arith.xori %add3A_883, %xor3A_884 : i32
    %mul3A_886 = arith.constant 1024 : i32
    %mul3A_887 = arith.muli %xor3A_885, %mul3A_886 : i32
    %multiple_of3A_888 = tpu.assume_multiple %mul3A_887, 1024 : i32
    %dma_wait3A_889 = arith.constant 0 : i32
    %dma_wait3A_890 = tpu.memref_slice %arg1[%multiple_of3A_888, %dma_wait3A_889] : memref<65536x256xf32, #tpu.memory_space<hbm>> -> memref<1024x256xf32, #tpu.memory_space<hbm>>
    tpu.wait_dma2 semaphore(%arg12 : memref<!tpu.dma_semaphore, #tpu.memory_space<semaphore_mem>>) src(%dma_wait3A_890 : memref<1024x256xf32, #tpu.memory_space<hbm>>) dst(%arg6 : memref<1024x256xf32, #tpu.memory_space<vmem_shared>>)
    %add3A_891 = arith.constant 27 : i32
    %add3A_892 = arith.addi %mul3A_0, %add3A_891 : i32
    %mul3A_893 = arith.constant 1024 : i32
    %mul3A_894 = arith.muli %add3A_892, %mul3A_893 : i32
    %multiple_of3A_895 = tpu.assume_multiple %mul3A_894, 1024 : i32
    %dma_start3A_896 = arith.constant 0 : i32
    %dma_start3A_897 = tpu.memref_slice %arg2[%multiple_of3A_895, %dma_start3A_896] : memref<65536x256xf32, #tpu.memory_space<hbm>> -> memref<1024x256xf32, #tpu.memory_space<hbm>>
    tpu.enqueue_dma source(%arg6 : memref<1024x256xf32, #tpu.memory_space<vmem_shared>>) target(%dma_start3A_897 : memref<1024x256xf32, #tpu.memory_space<hbm>>) target_semaphore(%arg18 : memref<!tpu.dma_semaphore, #tpu.memory_space<semaphore_mem>>)
    %add3A_898 = arith.constant 25 : i32
    %add3A_899 = arith.addi %mul3A_0, %add3A_898 : i32
    %mul3A_900 = arith.constant 1024 : i32
    %mul3A_901 = arith.muli %add3A_899, %mul3A_900 : i32
    %multiple_of3A_902 = tpu.assume_multiple %mul3A_901, 1024 : i32
    %dma_wait3A_903 = arith.constant 0 : i32
    %dma_wait3A_904 = tpu.memref_slice %arg2[%multiple_of3A_902, %dma_wait3A_903] : memref<65536x256xf32, #tpu.memory_space<hbm>> -> memref<1024x256xf32, #tpu.memory_space<hbm>>
    tpu.wait_dma2 semaphore(%arg16 : memref<!tpu.dma_semaphore, #tpu.memory_space<semaphore_mem>>) src(%arg4 : memref<1024x256xf32, #tpu.memory_space<vmem_shared>>) dst(%dma_wait3A_904 : memref<1024x256xf32, #tpu.memory_space<hbm>>)
    %add3A_905 = arith.constant 31 : i32
    %add3A_906 = arith.addi %mul3A_0, %add3A_905 : i32
    %xor3A_907 = arith.constant 1 : i32
    %xor3A_908 = arith.xori %add3A_906, %xor3A_907 : i32
    %mul3A_909 = arith.constant 1024 : i32
    %mul3A_910 = arith.muli %xor3A_908, %mul3A_909 : i32
    %multiple_of3A_911 = tpu.assume_multiple %mul3A_910, 1024 : i32
    %dma_start3A_912 = arith.constant 0 : i32
    %dma_start3A_913 = tpu.memref_slice %arg1[%multiple_of3A_911, %dma_start3A_912] : memref<65536x256xf32, #tpu.memory_space<hbm>> -> memref<1024x256xf32, #tpu.memory_space<hbm>>
    tpu.enqueue_dma source(%dma_start3A_913 : memref<1024x256xf32, #tpu.memory_space<hbm>>) target(%arg4 : memref<1024x256xf32, #tpu.memory_space<vmem_shared>>) target_semaphore(%arg10 : memref<!tpu.dma_semaphore, #tpu.memory_space<semaphore_mem>>)
    %add3A_914 = arith.constant 28 : i32
    %add3A_915 = arith.addi %mul3A_0, %add3A_914 : i32
    %xor3A_916 = arith.constant 1 : i32
    %xor3A_917 = arith.xori %add3A_915, %xor3A_916 : i32
    %mul3A_918 = arith.constant 1024 : i32
    %mul3A_919 = arith.muli %xor3A_917, %mul3A_918 : i32
    %multiple_of3A_920 = tpu.assume_multiple %mul3A_919, 1024 : i32
    %dma_wait3A_921 = arith.constant 0 : i32
    %dma_wait3A_922 = tpu.memref_slice %arg1[%multiple_of3A_920, %dma_wait3A_921] : memref<65536x256xf32, #tpu.memory_space<hbm>> -> memref<1024x256xf32, #tpu.memory_space<hbm>>
    tpu.wait_dma2 semaphore(%arg13 : memref<!tpu.dma_semaphore, #tpu.memory_space<semaphore_mem>>) src(%dma_wait3A_922 : memref<1024x256xf32, #tpu.memory_space<hbm>>) dst(%arg7 : memref<1024x256xf32, #tpu.memory_space<vmem_shared>>)
    %add3A_923 = arith.constant 28 : i32
    %add3A_924 = arith.addi %mul3A_0, %add3A_923 : i32
    %mul3A_925 = arith.constant 1024 : i32
    %mul3A_926 = arith.muli %add3A_924, %mul3A_925 : i32
    %multiple_of3A_927 = tpu.assume_multiple %mul3A_926, 1024 : i32
    %dma_start3A_928 = arith.constant 0 : i32
    %dma_start3A_929 = tpu.memref_slice %arg2[%multiple_of3A_927, %dma_start3A_928] : memref<65536x256xf32, #tpu.memory_space<hbm>> -> memref<1024x256xf32, #tpu.memory_space<hbm>>
    tpu.enqueue_dma source(%arg7 : memref<1024x256xf32, #tpu.memory_space<vmem_shared>>) target(%dma_start3A_929 : memref<1024x256xf32, #tpu.memory_space<hbm>>) target_semaphore(%arg19 : memref<!tpu.dma_semaphore, #tpu.memory_space<semaphore_mem>>)
    %add3A_930 = arith.constant 29 : i32
    %add3A_931 = arith.addi %mul3A_0, %add3A_930 : i32
    %xor3A_932 = arith.constant 1 : i32
    %xor3A_933 = arith.xori %add3A_931, %xor3A_932 : i32
    %mul3A_934 = arith.constant 1024 : i32
    %mul3A_935 = arith.muli %xor3A_933, %mul3A_934 : i32
    %multiple_of3A_936 = tpu.assume_multiple %mul3A_935, 1024 : i32
    %dma_wait3A_937 = arith.constant 0 : i32
    %dma_wait3A_938 = tpu.memref_slice %arg1[%multiple_of3A_936, %dma_wait3A_937] : memref<65536x256xf32, #tpu.memory_space<hbm>> -> memref<1024x256xf32, #tpu.memory_space<hbm>>
    tpu.wait_dma2 semaphore(%arg14 : memref<!tpu.dma_semaphore, #tpu.memory_space<semaphore_mem>>) src(%dma_wait3A_938 : memref<1024x256xf32, #tpu.memory_space<hbm>>) dst(%arg8 : memref<1024x256xf32, #tpu.memory_space<vmem_shared>>)
    %add3A_939 = arith.constant 29 : i32
    %add3A_940 = arith.addi %mul3A_0, %add3A_939 : i32
    %mul3A_941 = arith.constant 1024 : i32
    %mul3A_942 = arith.muli %add3A_940, %mul3A_941 : i32
    %multiple_of3A_943 = tpu.assume_multiple %mul3A_942, 1024 : i32
    %dma_start3A_944 = arith.constant 0 : i32
    %dma_start3A_945 = tpu.memref_slice %arg2[%multiple_of3A_943, %dma_start3A_944] : memref<65536x256xf32, #tpu.memory_space<hbm>> -> memref<1024x256xf32, #tpu.memory_space<hbm>>
    tpu.enqueue_dma source(%arg8 : memref<1024x256xf32, #tpu.memory_space<vmem_shared>>) target(%dma_start3A_945 : memref<1024x256xf32, #tpu.memory_space<hbm>>) target_semaphore(%arg20 : memref<!tpu.dma_semaphore, #tpu.memory_space<semaphore_mem>>)
    %add3A_946 = arith.constant 30 : i32
    %add3A_947 = arith.addi %mul3A_0, %add3A_946 : i32
    %xor3A_948 = arith.constant 1 : i32
    %xor3A_949 = arith.xori %add3A_947, %xor3A_948 : i32
    %mul3A_950 = arith.constant 1024 : i32
    %mul3A_951 = arith.muli %xor3A_949, %mul3A_950 : i32
    %multiple_of3A_952 = tpu.assume_multiple %mul3A_951, 1024 : i32
    %dma_wait3A_953 = arith.constant 0 : i32
    %dma_wait3A_954 = tpu.memref_slice %arg1[%multiple_of3A_952, %dma_wait3A_953] : memref<65536x256xf32, #tpu.memory_space<hbm>> -> memref<1024x256xf32, #tpu.memory_space<hbm>>
    tpu.wait_dma2 semaphore(%arg9 : memref<!tpu.dma_semaphore, #tpu.memory_space<semaphore_mem>>) src(%dma_wait3A_954 : memref<1024x256xf32, #tpu.memory_space<hbm>>) dst(%arg3 : memref<1024x256xf32, #tpu.memory_space<vmem_shared>>)
    %add3A_955 = arith.constant 30 : i32
    %add3A_956 = arith.addi %mul3A_0, %add3A_955 : i32
    %mul3A_957 = arith.constant 1024 : i32
    %mul3A_958 = arith.muli %add3A_956, %mul3A_957 : i32
    %multiple_of3A_959 = tpu.assume_multiple %mul3A_958, 1024 : i32
    %dma_start3A_960 = arith.constant 0 : i32
    %dma_start3A_961 = tpu.memref_slice %arg2[%multiple_of3A_959, %dma_start3A_960] : memref<65536x256xf32, #tpu.memory_space<hbm>> -> memref<1024x256xf32, #tpu.memory_space<hbm>>
    tpu.enqueue_dma source(%arg3 : memref<1024x256xf32, #tpu.memory_space<vmem_shared>>) target(%dma_start3A_961 : memref<1024x256xf32, #tpu.memory_space<hbm>>) target_semaphore(%arg15 : memref<!tpu.dma_semaphore, #tpu.memory_space<semaphore_mem>>)
    %add3A_962 = arith.constant 31 : i32
    %add3A_963 = arith.addi %mul3A_0, %add3A_962 : i32
    %xor3A_964 = arith.constant 1 : i32
    %xor3A_965 = arith.xori %add3A_963, %xor3A_964 : i32
    %mul3A_966 = arith.constant 1024 : i32
    %mul3A_967 = arith.muli %xor3A_965, %mul3A_966 : i32
    %multiple_of3A_968 = tpu.assume_multiple %mul3A_967, 1024 : i32
    %dma_wait3A_969 = arith.constant 0 : i32
    %dma_wait3A_970 = tpu.memref_slice %arg1[%multiple_of3A_968, %dma_wait3A_969] : memref<65536x256xf32, #tpu.memory_space<hbm>> -> memref<1024x256xf32, #tpu.memory_space<hbm>>
    tpu.wait_dma2 semaphore(%arg10 : memref<!tpu.dma_semaphore, #tpu.memory_space<semaphore_mem>>) src(%dma_wait3A_970 : memref<1024x256xf32, #tpu.memory_space<hbm>>) dst(%arg4 : memref<1024x256xf32, #tpu.memory_space<vmem_shared>>)
    %add3A_971 = arith.constant 31 : i32
    %add3A_972 = arith.addi %mul3A_0, %add3A_971 : i32
    %mul3A_973 = arith.constant 1024 : i32
    %mul3A_974 = arith.muli %add3A_972, %mul3A_973 : i32
    %multiple_of3A_975 = tpu.assume_multiple %mul3A_974, 1024 : i32
    %dma_start3A_976 = arith.constant 0 : i32
    %dma_start3A_977 = tpu.memref_slice %arg2[%multiple_of3A_975, %dma_start3A_976] : memref<65536x256xf32, #tpu.memory_space<hbm>> -> memref<1024x256xf32, #tpu.memory_space<hbm>>
    tpu.enqueue_dma source(%arg4 : memref<1024x256xf32, #tpu.memory_space<vmem_shared>>) target(%dma_start3A_977 : memref<1024x256xf32, #tpu.memory_space<hbm>>) target_semaphore(%arg16 : memref<!tpu.dma_semaphore, #tpu.memory_space<semaphore_mem>>)
    %add3A_978 = arith.constant 26 : i32
    %add3A_979 = arith.addi %mul3A_0, %add3A_978 : i32
    %mul3A_980 = arith.constant 1024 : i32
    %mul3A_981 = arith.muli %add3A_979, %mul3A_980 : i32
    %multiple_of3A_982 = tpu.assume_multiple %mul3A_981, 1024 : i32
    %dma_wait3A_983 = arith.constant 0 : i32
    %dma_wait3A_984 = tpu.memref_slice %arg2[%multiple_of3A_982, %dma_wait3A_983] : memref<65536x256xf32, #tpu.memory_space<hbm>> -> memref<1024x256xf32, #tpu.memory_space<hbm>>
    tpu.wait_dma2 semaphore(%arg17 : memref<!tpu.dma_semaphore, #tpu.memory_space<semaphore_mem>>) src(%arg5 : memref<1024x256xf32, #tpu.memory_space<vmem_shared>>) dst(%dma_wait3A_984 : memref<1024x256xf32, #tpu.memory_space<hbm>>)
    %add3A_985 = arith.constant 27 : i32
    %add3A_986 = arith.addi %mul3A_0, %add3A_985 : i32
    %mul3A_987 = arith.constant 1024 : i32
    %mul3A_988 = arith.muli %add3A_986, %mul3A_987 : i32
    %multiple_of3A_989 = tpu.assume_multiple %mul3A_988, 1024 : i32
    %dma_wait3A_990 = arith.constant 0 : i32
    %dma_wait3A_991 = tpu.memref_slice %arg2[%multiple_of3A_989, %dma_wait3A_990] : memref<65536x256xf32, #tpu.memory_space<hbm>> -> memref<1024x256xf32, #tpu.memory_space<hbm>>
    tpu.wait_dma2 semaphore(%arg18 : memref<!tpu.dma_semaphore, #tpu.memory_space<semaphore_mem>>) src(%arg6 : memref<1024x256xf32, #tpu.memory_space<vmem_shared>>) dst(%dma_wait3A_991 : memref<1024x256xf32, #tpu.memory_space<hbm>>)
    %add3A_992 = arith.constant 28 : i32
    %add3A_993 = arith.addi %mul3A_0, %add3A_992 : i32
    %mul3A_994 = arith.constant 1024 : i32
    %mul3A_995 = arith.muli %add3A_993, %mul3A_994 : i32
    %multiple_of3A_996 = tpu.assume_multiple %mul3A_995, 1024 : i32
    %dma_wait3A_997 = arith.constant 0 : i32
    %dma_wait3A_998 = tpu.memref_slice %arg2[%multiple_of3A_996, %dma_wait3A_997] : memref<65536x256xf32, #tpu.memory_space<hbm>> -> memref<1024x256xf32, #tpu.memory_space<hbm>>
    tpu.wait_dma2 semaphore(%arg19 : memref<!tpu.dma_semaphore, #tpu.memory_space<semaphore_mem>>) src(%arg7 : memref<1024x256xf32, #tpu.memory_space<vmem_shared>>) dst(%dma_wait3A_998 : memref<1024x256xf32, #tpu.memory_space<hbm>>)
    %add3A_999 = arith.constant 29 : i32
    %add3A_1000 = arith.addi %mul3A_0, %add3A_999 : i32
    %mul3A_1001 = arith.constant 1024 : i32
    %mul3A_1002 = arith.muli %add3A_1000, %mul3A_1001 : i32
    %multiple_of3A_1003 = tpu.assume_multiple %mul3A_1002, 1024 : i32
    %dma_wait3A_1004 = arith.constant 0 : i32
    %dma_wait3A_1005 = tpu.memref_slice %arg2[%multiple_of3A_1003, %dma_wait3A_1004] : memref<65536x256xf32, #tpu.memory_space<hbm>> -> memref<1024x256xf32, #tpu.memory_space<hbm>>
    tpu.wait_dma2 semaphore(%arg20 : memref<!tpu.dma_semaphore, #tpu.memory_space<semaphore_mem>>) src(%arg8 : memref<1024x256xf32, #tpu.memory_space<vmem_shared>>) dst(%dma_wait3A_1005 : memref<1024x256xf32, #tpu.memory_space<hbm>>)
    %add3A_1006 = arith.constant 30 : i32
    %add3A_1007 = arith.addi %mul3A_0, %add3A_1006 : i32
    %mul3A_1008 = arith.constant 1024 : i32
    %mul3A_1009 = arith.muli %add3A_1007, %mul3A_1008 : i32
    %multiple_of3A_1010 = tpu.assume_multiple %mul3A_1009, 1024 : i32
    %dma_wait3A_1011 = arith.constant 0 : i32
    %dma_wait3A_1012 = tpu.memref_slice %arg2[%multiple_of3A_1010, %dma_wait3A_1011] : memref<65536x256xf32, #tpu.memory_space<hbm>> -> memref<1024x256xf32, #tpu.memory_space<hbm>>
    tpu.wait_dma2 semaphore(%arg15 : memref<!tpu.dma_semaphore, #tpu.memory_space<semaphore_mem>>) src(%arg3 : memref<1024x256xf32, #tpu.memory_space<vmem_shared>>) dst(%dma_wait3A_1012 : memref<1024x256xf32, #tpu.memory_space<hbm>>)
    %add3A_1013 = arith.constant 31 : i32
    %add3A_1014 = arith.addi %mul3A_0, %add3A_1013 : i32
    %mul3A_1015 = arith.constant 1024 : i32
    %mul3A_1016 = arith.muli %add3A_1014, %mul3A_1015 : i32
    %multiple_of3A_1017 = tpu.assume_multiple %mul3A_1016, 1024 : i32
    %dma_wait3A_1018 = arith.constant 0 : i32
    %dma_wait3A_1019 = tpu.memref_slice %arg2[%multiple_of3A_1017, %dma_wait3A_1018] : memref<65536x256xf32, #tpu.memory_space<hbm>> -> memref<1024x256xf32, #tpu.memory_space<hbm>>
    tpu.wait_dma2 semaphore(%arg16 : memref<!tpu.dma_semaphore, #tpu.memory_space<semaphore_mem>>) src(%arg4 : memref<1024x256xf32, #tpu.memory_space<vmem_shared>>) dst(%dma_wait3A_1019 : memref<1024x256xf32, #tpu.memory_space<hbm>>)
    return
  }
}

</mosaic_0001>

<sc_bundles>
// kernel: _scs_swap.3.cloned.1.call-start
scs
__scs_entry_jumppad:
0x0: {  	(pc) =	sbr.rel $0x88, $3  }
0x1: {  	(tag) =	ssettag $0x0;
	lr =	simm.s32 $0x1  }
0x2: {  	[smem:$0x3FA0] =	sst lr;
	_ =	strace $0xD0000000  }
0x3: {  	_ = 	snop  }
0x4: {  	_ = 	snop  }
0x5: {  	_ = 	snop  }
0x6: {  	_ = 	snop  }
0x7: {  	_ = 	snop  }
__scs_overlays_trampoline_lowered:
0x8: {  	[smem:$0x3FAF] =	sst s0  }
0x9: {  	[smem:$0x3FB0] =	sst s1  }
0xa: {  	[smem:$0x3FB1] =	sst s2  }
0xb: {  	[smem:$0x3FB2] =	sst s3  }
0xc: {  	[smem:$0x3FB3] =	sst s4  }
0xd: {  	[smem:$0x3FB4] =	sst s5  }
0xe: {  	[smem:$0x3FB5] =	sst s6  }
0xf: {  	[smem:$0x3FB6] =	sst s7  }
0x10: {  	[smem:$0x3FB7] =	sst s8  }
0x11: {  	[smem:$0x3FB8] =	sst s9;
	s0 =	simm.s32 @!p0 $0x0  }
0x12: {  	s1 =	sld [smem:$0x3F9E];
	s0 =	simm.s32 @p0 $0x1  }
0x13: {  	[smem:$0x3FB9] =	sst s0;
	s0 =	simm.s32 @!p1 $0x0  }
0x14: {  	s2 =	sld [smem:$0x3F9D];
	s0 =	simm.s32 @p1 $0x1  }
0x15: {  	[smem:$0x3FBA] =	sst s0;
	s0 =	simm.s32 @!p2 $0x0  }
0x16: {  	s3 =	sld [smem:$0x3FDB];
	s0 =	simm.s32 @p2 $0x1  }
0x17: {  	s4 =	simm.s32 $0x1BF5;
	[smem:$0x3FBC] =	sst s0  }
0x18: {  	s0 =	sld [smem:$0x3F9F];
	_ =	swait.ge [sflag:s4], $0x0  }
0x19: {  	s7 =	sld [smem:$0x3FA0]  }
0x1a: {  	s8 =	sadd.s32 $0xFFFFE003, lr  }
0x1b: {  	s9 =	sadd.s32 $0xFFFFFEF7, lr;
	s5 =	simm.s32 $0xFFFFFFFF;
	p2 =	slt.u32 s8, $0xFFFFF086  }
0x1c: {  	p1 =	slt.u32 s9, $0xF7A;
	s5 =	simm.s32 @!p2 $0x0  }
0x1d: {  	s5 =	simm.s32 @p1 $0x1;
	p0 =	seq.s32 s7, s2  }
0x1e: {  	s7 =	smul.u32 @!p0 $0xF7A, s2;
	p2 =	seq.s32 @!p0 s5, $0x0  }
0x1f: {  	s9 =	smul.u32 $0xF7A, s1;
	s8 =	simm.s32 @!p0 $0x1BF5;
	p2 =	por !p2, p0  }
0x20: {  	[sflag:s8] =	ssyncset.s32 @!p0 $0xFFFFF086;
	s6 =	sadd.s32 @!p0 s3, s7;
	s7 =	simm.s32 @!p0 $0x108  }
0x21: {  	s3 =	sadd.s32 s3, s9;
	s6 =	sadd.s32 @!p0 $0x88, s6;
	s7 =	simm.s32 @p2 $0x1082  }
0x22: {  	[simem:s7], [sflag:s8] =	dma.local @!p0 [hbm:s6], $0xF7A  }
0x23: {  	s9 =	sor.u32 $0xD0000000, s2;
	s6 =	simm.s32 $0x108;
	_ =	swait.ge @!p0 [sflag:s8], $0x0  }
0x24: {  	s3 =	sadd.s32 $0x88, s3;
	s6 =	simm.s32 @!p1 $0x1082;
	[sflag:s4] =	ssyncset.s32 $0xFFFFF086  }
0x25: {  	[simem:s6], [sflag:s4] =	dma.local [hbm:s3], $0xF7A  }
0x26: {  	[smem:$0x3FA0] =	sst s1;
	(tag) =	ssettag s2;
	_ =	strace s9  }
0x27: {  	s1 =	sld [smem:$0x3FB0]  }
0x28: {  	s2 =	sld [smem:$0x3FB1]  }
0x29: {  	s4 =	sld [smem:$0x3FB3]  }
0x2a: {  	p0 =	seq.s32 s5, $0x0;
	s5 =	sld [smem:$0x3FB4]  }
0x2b: {  	s6 =	sld [smem:$0x3FB5]  }
0x2c: {  	s7 =	sld [smem:$0x3FB6]  }
0x2d: {  	s3 =	simm.s32 $0x108;
	s8 =	sld [smem:$0x3FB7]  }
0x2e: {  	s3 =	simm.s32 @!p0 $0x1082;
	s9 =	sld [smem:$0x3FB8]  }
0x2f: {  	lr =	sadd.s32 s0, s3;
	s0 =	sld [smem:$0x3FAF]  }
0x30: {  	s3 =	sld [smem:$0x3FB2]  }
0x31: {  	[smem:$0x3FBB] =	sst s10  }
0x32: {  	s10 =	sld [smem:$0x3FB9];
	_ =	sdelay $0x3  }
0x33: {  	p0 =	seq.s32 s10, $0x1;
	s10 =	sld [smem:$0x3FBB];
	_ =	sdelay $0x3  }
0x34: {  	[smem:$0x3FBB] =	sst s10  }
0x35: {  	s10 =	sld [smem:$0x3FBA];
	_ =	sdelay $0x3  }
0x36: {  	p1 =	seq.s32 s10, $0x1;
	s10 =	sld [smem:$0x3FBB];
	_ =	sdelay $0x3  }
0x37: {  	[smem:$0x3FBB] =	sst s10  }
0x38: {  	s10 =	sld [smem:$0x3FBC]  }
0x39: {  	_ = 	snop;
	(pc) =	sbr.ind lr, $3  }
0x3a: {  	_ = 	snop  }
0x3b: {  	_ = 	snop  }
0x3c: {  	p2 =	seq.s32 s10, $0x1;
	s10 =	sld [smem:$0x3FBB]  }
0x3d: {  	_ =	shalt  }
0x3e: {  	_ =	shalt  }
0x3f: {  	_ =	shalt  }
0x40: {  	_ =	shalt  }
0x41: {  	_ =	shalt  }
0x42: {  	_ =	shalt  }
0x43: {  	_ =	shalt  }
0x44: {  	_ =	shalt  }
0x45: {  	_ =	shalt  }
0x46: {  	_ =	shalt  }
0x47: {  	_ =	shalt  }
0x48: {  	_ =	shalt  }
0x49: {  	_ =	shalt  }
0x4a: {  	_ =	shalt  }
0x4b: {  	_ =	shalt  }
0x4c: {  	_ =	shalt  }
0x4d: {  	_ =	shalt  }
0x4e: {  	_ =	shalt  }
0x4f: {  	_ =	shalt  }
0x50: {  	_ =	shalt  }
0x51: {  	_ =	shalt  }
0x52: {  	_ =	shalt  }
0x53: {  	_ =	shalt  }
0x54: {  	_ =	shalt  }
0x55: {  	_ =	shalt  }
0x56: {  	_ =	shalt  }
0x57: {  	_ =	shalt  }
0x58: {  	_ =	shalt  }
0x59: {  	_ =	shalt  }
0x5a: {  	_ =	shalt  }
0x5b: {  	_ =	shalt  }
0x5c: {  	_ =	shalt  }
0x5d: {  	_ =	shalt  }
0x5e: {  	_ =	shalt  }
0x5f: {  	_ =	shalt  }
0x60: {  	_ =	shalt  }
0x61: {  	_ =	shalt  }
0x62: {  	_ =	shalt  }
0x63: {  	_ =	shalt  }
0x64: {  	_ =	shalt  }
0x65: {  	_ =	shalt  }
0x66: {  	_ =	shalt  }
0x67: {  	_ =	shalt  }
0x68: {  	_ =	shalt  }
0x69: {  	_ =	shalt  }
0x6a: {  	_ =	shalt  }
0x6b: {  	_ =	shalt  }
0x6c: {  	_ =	shalt  }
0x6d: {  	_ =	shalt  }
0x6e: {  	_ =	shalt  }
0x6f: {  	_ =	shalt  }
0x70: {  	_ =	shalt  }
0x71: {  	_ =	shalt  }
0x72: {  	_ =	shalt  }
0x73: {  	_ =	shalt  }
0x74: {  	_ =	shalt  }
0x75: {  	_ =	shalt  }
0x76: {  	_ =	shalt  }
0x77: {  	_ =	shalt  }
0x78: {  	_ =	shalt  }
0x79: {  	_ =	shalt  }
0x7a: {  	_ =	shalt  }
0x7b: {  	_ =	shalt  }
0x7c: {  	_ =	shalt  }
0x7d: {  	_ =	shalt  }
0x7e: {  	_ =	shalt  }
0x7f: {  	_ =	shalt  }
0x80: {  	_ =	shalt  }
0x81: {  	_ =	shalt  }
0x82: {  	_ =	shalt  }
0x83: {  	_ =	shalt  }
0x84: {  	_ =	shalt  }
0x85: {  	_ =	shalt  }
0x86: {  	_ =	shalt  }
0x87: {  	_ =	shalt  }
.Lfunc_end0:
.L_simem_size_0:
called_computation_lowered:
.L_overlay_start_0:
0x88: {  	s2 =	sld [smem:$0x3FD9]  }
0x89: {  	s3 =	sld [smem:$0x3FFE];
	_ =	sdelay $0x1  }
0x8a: {  	s1 =	srdreg.scid  }
0x8b: {  	s0 =	sand.u32 $0x1, s1  }
0x8c: {  	s18 =	sshll.u32 s0, $0xA;
	s2 =	sadd.s32 s3, s2  }
0x8d: {  	s2 =	sadd.s32 s2, s18  }
0x8e: {  	s3 =	simm.s32 $0x0;
	[smem:$0x3FC7] =	sst s2  }
0x8f: {  	[smem:$0xF] =	sst s3  }
0x90: {  	s4 =	sld [smem:$0x3FC9]  }
0x91: {  	s2 =	sld [smem:$0x3FD0];
	(tm) =	ssettm $0x1  }
0x92: {  	s5 =	sld [smem:$0x3FFB];
	_ =	sdelay $0x3  }
0x93: {  	_ =	strace s5  }
0x94: {  	s5 =	sld [smem:$0x3FFC];
	_ =	sdelay $0x3  }
0x95: {  	_ =	strace s5  }
0x96: {  	s5 =	sld [smem:$0x3FFD];
	_ =	sdelay $0x3  }
0x97: {  	_ =	strace s5  }
0x98: {  	s19 =	simm.s32 $0x1B8B;
	_ =	strace $0x8FFFFFFF  }
0x99: {  	_ =	swait.ge [sflag:s19], $0x1  }
0x9a: {  	s20 =	simm.s32 $0x1B8E;
	[sflag:s19] =	ssyncset.done $0x0  }
0x9b: {  	s8 =	simm.s32 $0x9;
	s11 =	sshll.u32 s0, $0x14;
	[sflag:s19] =	ssyncadd.s32 $0xFFFFFFFF  }
0x9c: {  	s6 =	simm.s32 $0xA;
	s9 =	sor.u32 $0x8000, s11;
	[smem:$0x3FD2] =	sst s20  }
0x9d: {  	s17 =	simm.s32 $0x10000;
	s21 =	sadd.s32 s9, s4;
	_ =	strace $0x80000046  }
0x9e: {  	[spmem:s3], [sflag:s8] =	dma.local [hbm:s21], $0x8000  }
0x9f: {  	s7 =	sadd.s32 s11, s4;
	s5 =	simm.s32 $0x8000;
	s21 =	sor.u32 $0x18000, s11  }
0xa0: {  	[spmem:s5], [sflag:s6] =	dma.local [hbm:s7], $0x8000  }
0xa1: {  	s19 =	simm.s32 $0xB;
	s22 =	sadd.s32 s4, s21;
	s23 =	sand.u32 $0x110000, s21  }
0xa2: {  	[spmem:s17], [sflag:s19] =	dma.local [hbm:s22], $0x8000  }
0xa3: {  	s15 =	simm.s32 $0xC;
	s13 =	simm.s32 $0x18000;
	s7 =	sadd.s32 s23, s4  }
0xa4: {  	[spmem:s13], [sflag:s15] =	dma.local [hbm:s7], $0x8000  }
0xa5: {  	s16 =	simm.s32 $0xD;
	s14 =	simm.s32 $0x20000;
	_ =	swait.ge [sflag:s8], $0x8000  }
0xa6: {  	s10 =	sadd.s32 s11, s2;
	s23 =	sor.u32 $0x28000, s11;
	[sflag:s8] =	ssyncset.done $0x0  }
0xa7: {  	s7 =	simm.s32 $0xF;
	s12 =	sadd.s32 s4, s23;
	[sflag:s8] =	ssyncadd.s32 $0xFFFF8000  }
0xa8: {  	[hbm:s10], [sflag:s7] =	dma.local [spmem:s3], $0x8000  }
0xa9: {  	[spmem:s14], [sflag:s16] =	dma.local [hbm:s12], $0x8000  }
0xaa: {  	s18 =	simm.s32 $0x28000;
	s24 =	sadd.s32 s9, s2;
	_ =	swait.ge [sflag:s6], $0x8000  }
0xab: {  	s9 =	simm.s32 $0x10;
	s25 =	sand.u32 $0x120000, s23;
	[sflag:s6] =	ssyncset.done $0x0  }
0xac: {  	s20 =	simm.s32 $0xE;
	s12 =	sadd.s32 s25, s4;
	[sflag:s6] =	ssyncadd.s32 $0xFFFF8000  }
0xad: {  	[hbm:s24], [sflag:s9] =	dma.local [spmem:s5], $0x8000  }
0xae: {  	[spmem:s18], [sflag:s20] =	dma.local [hbm:s12], $0x8000  }
0xaf: {  	_ =	swait.ge [sflag:s19], $0x8000  }
0xb0: {  	[sflag:s19] =	ssyncset.done $0x0  }
0xb1: {  	[sflag:s19] =	ssyncadd.s32 $0xFFFF8000  }
0xb2: {  	s22 =	sadd.s32 $0x10000, s10;
	s12 =	simm.s32 $0x11  }
0xb3: {  	[hbm:s22], [sflag:s12] =	dma.local [spmem:s17], $0x8000  }
0xb4: {  	_ =	swait.ge [sflag:s7], $0x8000  }
0xb5: {  	[sflag:s7] =	ssyncset.done $0x0  }
0xb6: {  	s24 =	sor.u32 $0x38000, s11;
	[sflag:s7] =	ssyncadd.s32 $0xFFFF8000  }
0xb7: {  	s26 =	sadd.s32 s4, s24  }
0xb8: {  	[spmem:s3], [sflag:s8] =	dma.local [hbm:s26], $0x8000  }
0xb9: {  	_ =	swait.ge [sflag:s15], $0x8000  }
0xba: {  	[sflag:s15] =	ssyncset.done $0x0  }
0xbb: {  	[sflag:s15] =	ssyncadd.s32 $0xFFFF8000  }
0xbc: {  	s28 =	sadd.s32 s21, s2;
	s21 =	simm.s32 $0x12  }
0xbd: {  	[hbm:s28], [sflag:s21] =	dma.local [spmem:s13], $0x8000  }
0xbe: {  	_ =	swait.ge [sflag:s9], $0x8000  }
0xbf: {  	[sflag:s9] =	ssyncset.done $0x0  }
0xc0: {  	s29 =	sand.u32 $0x130000, s24;
	[sflag:s9] =	ssyncadd.s32 $0xFFFF8000  }
0xc1: {  	s22 =	sadd.s32 s29, s4  }
0xc2: {  	[spmem:s5], [sflag:s6] =	dma.local [hbm:s22], $0x8000  }
0xc3: {  	_ =	swait.ge [sflag:s16], $0x8000  }
0xc4: {  	[sflag:s16] =	ssyncset.done $0x0  }
0xc5: {  	[sflag:s16] =	ssyncadd.s32 $0xFFFF8000  }
0xc6: {  	s25 =	sadd.s32 $0x20000, s10;
	s22 =	simm.s32 $0x13  }
0xc7: {  	[hbm:s25], [sflag:s22] =	dma.local [spmem:s14], $0x8000  }
0xc8: {  	_ =	swait.ge [sflag:s12], $0x8000  }
0xc9: {  	[sflag:s12] =	ssyncset.done $0x0  }
0xca: {  	s25 =	sor.u32 $0x48000, s11;
	[sflag:s12] =	ssyncadd.s32 $0xFFFF8000  }
0xcb: {  	s26 =	sadd.s32 s4, s25  }
0xcc: {  	[spmem:s17], [sflag:s19] =	dma.local [hbm:s26], $0x8000  }
0xcd: {  	_ =	swait.ge [sflag:s20], $0x8000  }
0xce: {  	[sflag:s20] =	ssyncset.done $0x0  }
0xcf: {  	[sflag:s20] =	ssyncadd.s32 $0xFFFF8000  }
0xd0: {  	s30 =	sadd.s32 s23, s2;
	s23 =	simm.s32 $0x14  }
0xd1: {  	[hbm:s30], [sflag:s23] =	dma.local [spmem:s18], $0x8000  }
0xd2: {  	_ =	swait.ge [sflag:s21], $0x8000  }
0xd3: {  	[sflag:s21] =	ssyncset.done $0x0  }
0xd4: {  	s31 =	sand.u32 $0x140000, s25;
	[sflag:s21] =	ssyncadd.s32 $0xFFFF8000  }
0xd5: {  	s26 =	sadd.s32 s31, s4  }
0xd6: {  	[spmem:s13], [sflag:s15] =	dma.local [hbm:s26], $0x8000  }
0xd7: {  	_ =	swait.ge [sflag:s8], $0x8000  }
0xd8: {  	[sflag:s8] =	ssyncset.done $0x0  }
0xd9: {  	[sflag:s8] =	ssyncadd.s32 $0xFFFF8000  }
0xda: {  	s28 =	sadd.s32 $0x30000, s10  }
0xdb: {  	[hbm:s28], [sflag:s7] =	dma.local [spmem:s3], $0x8000  }
0xdc: {  	_ =	swait.ge [sflag:s22], $0x8000  }
0xdd: {  	[sflag:s22] =	ssyncset.done $0x0  }
0xde: {  	s26 =	sor.u32 $0x58000, s11;
	[sflag:s22] =	ssyncadd.s32 $0xFFFF8000  }
0xdf: {  	s28 =	sadd.s32 s4, s26  }
0xe0: {  	[spmem:s14], [sflag:s16] =	dma.local [hbm:s28], $0x8000  }
0xe1: {  	_ =	swait.ge [sflag:s6], $0x8000  }
0xe2: {  	[sflag:s6] =	ssyncset.done $0x0  }
0xe3: {  	[sflag:s6] =	ssyncadd.s32 $0xFFFF8000  }
0xe4: {  	s24 =	sadd.s32 s24, s2  }
0xe5: {  	[hbm:s24], [sflag:s9] =	dma.local [spmem:s5], $0x8000  }
0xe6: {  	_ =	swait.ge [sflag:s23], $0x8000  }
0xe7: {  	[sflag:s23] =	ssyncset.done $0x0  }
0xe8: {  	s29 =	sand.u32 $0x150000, s26;
	[sflag:s23] =	ssyncadd.s32 $0xFFFF8000  }
0xe9: {  	s24 =	sadd.s32 s29, s4  }
0xea: {  	[spmem:s18], [sflag:s20] =	dma.local [hbm:s24], $0x8000  }
0xeb: {  	_ =	swait.ge [sflag:s19], $0x8000  }
0xec: {  	[sflag:s19] =	ssyncset.done $0x0  }
0xed: {  	[sflag:s19] =	ssyncadd.s32 $0xFFFF8000  }
0xee: {  	s30 =	sadd.s32 $0x40000, s10  }
0xef: {  	[hbm:s30], [sflag:s12] =	dma.local [spmem:s17], $0x8000  }
0xf0: {  	_ =	swait.ge [sflag:s7], $0x8000  }
0xf1: {  	[sflag:s7] =	ssyncset.done $0x0  }
0xf2: {  	s24 =	sor.u32 $0x68000, s11;
	[sflag:s7] =	ssyncadd.s32 $0xFFFF8000  }
0xf3: {  	s31 =	sadd.s32 s4, s24  }
0xf4: {  	[spmem:s3], [sflag:s8] =	dma.local [hbm:s31], $0x8000  }
0xf5: {  	_ =	swait.ge [sflag:s15], $0x8000  }
0xf6: {  	[sflag:s15] =	ssyncset.done $0x0  }
0xf7: {  	[sflag:s15] =	ssyncadd.s32 $0xFFFF8000  }
0xf8: {  	s25 =	sadd.s32 s25, s2  }
0xf9: {  	[hbm:s25], [sflag:s21] =	dma.local [spmem:s13], $0x8000  }
0xfa: {  	_ =	swait.ge [sflag:s9], $0x8000  }
0xfb: {  	[sflag:s9] =	ssyncset.done $0x0  }
0xfc: {  	s29 =	sand.u32 $0x160000, s24;
	[sflag:s9] =	ssyncadd.s32 $0xFFFF8000  }
0xfd: {  	s25 =	sadd.s32 s29, s4  }
0xfe: {  	[spmem:s5], [sflag:s6] =	dma.local [hbm:s25], $0x8000  }
0xff: {  	_ =	swait.ge [sflag:s16], $0x8000  }
0x100: {  	[sflag:s16] =	ssyncset.done $0x0  }
0x101: {  	[sflag:s16] =	ssyncadd.s32 $0xFFFF8000  }
0x102: {  	s30 =	sadd.s32 $0x50000, s10  }
0x103: {  	[hbm:s30], [sflag:s22] =	dma.local [spmem:s14], $0x8000  }
0x104: {  	_ =	swait.ge [sflag:s12], $0x8000  }
0x105: {  	[sflag:s12] =	ssyncset.done $0x0  }
0x106: {  	s25 =	sor.u32 $0x78000, s11;
	[sflag:s12] =	ssyncadd.s32 $0xFFFF8000  }
0x107: {  	s31 =	sadd.s32 s4, s25  }
0x108: {  	[spmem:s17], [sflag:s19] =	dma.local [hbm:s31], $0x8000  }
0x109: {  	_ =	swait.ge [sflag:s20], $0x8000  }
0x10a: {  	[sflag:s20] =	ssyncset.done $0x0  }
0x10b: {  	[sflag:s20] =	ssyncadd.s32 $0xFFFF8000  }
0x10c: {  	s26 =	sadd.s32 s26, s2  }
0x10d: {  	[hbm:s26], [sflag:s23] =	dma.local [spmem:s18], $0x8000  }
0x10e: {  	_ =	swait.ge [sflag:s21], $0x8000  }
0x10f: {  	[sflag:s21] =	ssyncset.done $0x0  }
0x110: {  	s29 =	sand.u32 $0x170000, s25;
	[sflag:s21] =	ssyncadd.s32 $0xFFFF8000  }
0x111: {  	s26 =	sadd.s32 s29, s4  }
0x112: {  	[spmem:s13], [sflag:s15] =	dma.local [hbm:s26], $0x8000  }
0x113: {  	_ =	swait.ge [sflag:s8], $0x8000  }
0x114: {  	[sflag:s8] =	ssyncset.done $0x0  }
0x115: {  	[sflag:s8] =	ssyncadd.s32 $0xFFFF8000  }
0x116: {  	s30 =	sadd.s32 $0x60000, s10  }
0x117: {  	[hbm:s30], [sflag:s7] =	dma.local [spmem:s3], $0x8000  }
0x118: {  	_ =	swait.ge [sflag:s22], $0x8000  }
0x119: {  	[sflag:s22] =	ssyncset.done $0x0  }
0x11a: {  	s26 =	sor.u32 $0x88000, s11;
	[sflag:s22] =	ssyncadd.s32 $0xFFFF8000  }
0x11b: {  	s31 =	sadd.s32 s4, s26  }
0x11c: {  	[spmem:s14], [sflag:s16] =	dma.local [hbm:s31], $0x8000  }
0x11d: {  	_ =	swait.ge [sflag:s6], $0x8000  }
0x11e: {  	[sflag:s6] =	ssyncset.done $0x0  }
0x11f: {  	[sflag:s6] =	ssyncadd.s32 $0xFFFF8000  }
0x120: {  	s24 =	sadd.s32 s24, s2  }
0x121: {  	[hbm:s24], [sflag:s9] =	dma.local [spmem:s5], $0x8000  }
0x122: {  	_ =	swait.ge [sflag:s23], $0x8000  }
0x123: {  	[sflag:s23] =	ssyncset.done $0x0  }
0x124: {  	s29 =	sand.u32 $0x180000, s26;
	[sflag:s23] =	ssyncadd.s32 $0xFFFF8000  }
0x125: {  	s24 =	sadd.s32 s29, s4  }
0x126: {  	[spmem:s18], [sflag:s20] =	dma.local [hbm:s24], $0x8000  }
0x127: {  	_ =	swait.ge [sflag:s19], $0x8000  }
0x128: {  	[sflag:s19] =	ssyncset.done $0x0  }
0x129: {  	[sflag:s19] =	ssyncadd.s32 $0xFFFF8000  }
0x12a: {  	s30 =	sadd.s32 $0x70000, s10  }
0x12b: {  	[hbm:s30], [sflag:s12] =	dma.local [spmem:s17], $0x8000  }
0x12c: {  	_ =	swait.ge [sflag:s7], $0x8000  }
0x12d: {  	[sflag:s7] =	ssyncset.done $0x0  }
0x12e: {  	s24 =	sor.u32 $0x98000, s11;
	[sflag:s7] =	ssyncadd.s32 $0xFFFF8000  }
0x12f: {  	s31 =	sadd.s32 s4, s24  }
0x130: {  	[spmem:s3], [sflag:s8] =	dma.local [hbm:s31], $0x8000  }
0x131: {  	_ =	swait.ge [sflag:s15], $0x8000  }
0x132: {  	[sflag:s15] =	ssyncset.done $0x0  }
0x133: {  	[sflag:s15] =	ssyncadd.s32 $0xFFFF8000  }
0x134: {  	s25 =	sadd.s32 s25, s2  }
0x135: {  	[hbm:s25], [sflag:s21] =	dma.local [spmem:s13], $0x8000  }
0x136: {  	_ =	swait.ge [sflag:s9], $0x8000  }
0x137: {  	[sflag:s9] =	ssyncset.done $0x0  }
0x138: {  	s29 =	sand.u32 $0x190000, s24;
	[sflag:s9] =	ssyncadd.s32 $0xFFFF8000  }
0x139: {  	s25 =	sadd.s32 s29, s4  }
0x13a: {  	[spmem:s5], [sflag:s6] =	dma.local [hbm:s25], $0x8000  }
0x13b: {  	_ =	swait.ge [sflag:s16], $0x8000  }
0x13c: {  	[sflag:s16] =	ssyncset.done $0x0  }
0x13d: {  	[sflag:s16] =	ssyncadd.s32 $0xFFFF8000  }
0x13e: {  	s30 =	sadd.s32 $0x80000, s10  }
0x13f: {  	[hbm:s30], [sflag:s22] =	dma.local [spmem:s14], $0x8000  }
0x140: {  	_ =	swait.ge [sflag:s12], $0x8000  }
0x141: {  	[sflag:s12] =	ssyncset.done $0x0  }
0x142: {  	s25 =	sor.u32 $0xA8000, s11;
	[sflag:s12] =	ssyncadd.s32 $0xFFFF8000  }
0x143: {  	s31 =	sadd.s32 s4, s25  }
0x144: {  	[spmem:s17], [sflag:s19] =	dma.local [hbm:s31], $0x8000  }
0x145: {  	_ =	swait.ge [sflag:s20], $0x8000  }
0x146: {  	[sflag:s20] =	ssyncset.done $0x0  }
0x147: {  	[sflag:s20] =	ssyncadd.s32 $0xFFFF8000  }
0x148: {  	s26 =	sadd.s32 s26, s2  }
0x149: {  	[hbm:s26], [sflag:s23] =	dma.local [spmem:s18], $0x8000  }
0x14a: {  	_ =	swait.ge [sflag:s21], $0x8000  }
0x14b: {  	[sflag:s21] =	ssyncset.done $0x0  }
0x14c: {  	s29 =	sand.u32 $0x1A0000, s25;
	[sflag:s21] =	ssyncadd.s32 $0xFFFF8000  }
0x14d: {  	s26 =	sadd.s32 s29, s4  }
0x14e: {  	[spmem:s13], [sflag:s15] =	dma.local [hbm:s26], $0x8000  }
0x14f: {  	_ =	swait.ge [sflag:s8], $0x8000  }
0x150: {  	[sflag:s8] =	ssyncset.done $0x0  }
0x151: {  	[sflag:s8] =	ssyncadd.s32 $0xFFFF8000  }
0x152: {  	s30 =	sadd.s32 $0x90000, s10  }
0x153: {  	[hbm:s30], [sflag:s7] =	dma.local [spmem:s3], $0x8000  }
0x154: {  	_ =	swait.ge [sflag:s22], $0x8000  }
0x155: {  	[sflag:s22] =	ssyncset.done $0x0  }
0x156: {  	s26 =	sor.u32 $0xB8000, s11;
	[sflag:s22] =	ssyncadd.s32 $0xFFFF8000  }
0x157: {  	s31 =	sadd.s32 s4, s26  }
0x158: {  	[spmem:s14], [sflag:s16] =	dma.local [hbm:s31], $0x8000  }
0x159: {  	_ =	swait.ge [sflag:s6], $0x8000  }
0x15a: {  	[sflag:s6] =	ssyncset.done $0x0  }
0x15b: {  	[sflag:s6] =	ssyncadd.s32 $0xFFFF8000  }
0x15c: {  	s24 =	sadd.s32 s24, s2  }
0x15d: {  	[hbm:s24], [sflag:s9] =	dma.local [spmem:s5], $0x8000  }
0x15e: {  	_ =	swait.ge [sflag:s23], $0x8000  }
0x15f: {  	[sflag:s23] =	ssyncset.done $0x0  }
0x160: {  	s29 =	sand.u32 $0x1B0000, s26;
	[sflag:s23] =	ssyncadd.s32 $0xFFFF8000  }
0x161: {  	s24 =	sadd.s32 s29, s4  }
0x162: {  	[spmem:s18], [sflag:s20] =	dma.local [hbm:s24], $0x8000  }
0x163: {  	_ =	swait.ge [sflag:s19], $0x8000  }
0x164: {  	[sflag:s19] =	ssyncset.done $0x0  }
0x165: {  	[sflag:s19] =	ssyncadd.s32 $0xFFFF8000  }
0x166: {  	s30 =	sadd.s32 $0xA0000, s10  }
0x167: {  	[hbm:s30], [sflag:s12] =	dma.local [spmem:s17], $0x8000  }
0x168: {  	_ =	swait.ge [sflag:s7], $0x8000  }
0x169: {  	[sflag:s7] =	ssyncset.done $0x0  }
0x16a: {  	s24 =	sor.u32 $0xC8000, s11;
	[sflag:s7] =	ssyncadd.s32 $0xFFFF8000  }
0x16b: {  	s31 =	sadd.s32 s4, s24  }
0x16c: {  	[spmem:s3], [sflag:s8] =	dma.local [hbm:s31], $0x8000  }
0x16d: {  	_ =	swait.ge [sflag:s15], $0x8000  }
0x16e: {  	[sflag:s15] =	ssyncset.done $0x0  }
0x16f: {  	[sflag:s15] =	ssyncadd.s32 $0xFFFF8000  }
0x170: {  	s25 =	sadd.s32 s25, s2  }
0x171: {  	[hbm:s25], [sflag:s21] =	dma.local [spmem:s13], $0x8000  }
0x172: {  	_ =	swait.ge [sflag:s9], $0x8000  }
0x173: {  	[sflag:s9] =	ssyncset.done $0x0  }
0x174: {  	s29 =	sand.u32 $0x1C0000, s24;
	[sflag:s9] =	ssyncadd.s32 $0xFFFF8000  }
0x175: {  	s25 =	sadd.s32 s29, s4  }
0x176: {  	[spmem:s5], [sflag:s6] =	dma.local [hbm:s25], $0x8000  }
0x177: {  	_ =	swait.ge [sflag:s16], $0x8000  }
0x178: {  	[sflag:s16] =	ssyncset.done $0x0  }
0x179: {  	[sflag:s16] =	ssyncadd.s32 $0xFFFF8000  }
0x17a: {  	s30 =	sadd.s32 $0xB0000, s10  }
0x17b: {  	[hbm:s30], [sflag:s22] =	dma.local [spmem:s14], $0x8000  }
0x17c: {  	_ =	swait.ge [sflag:s12], $0x8000  }
0x17d: {  	[sflag:s12] =	ssyncset.done $0x0  }
0x17e: {  	s25 =	sor.u32 $0xD8000, s11;
	[sflag:s12] =	ssyncadd.s32 $0xFFFF8000  }
0x17f: {  	s31 =	sadd.s32 s4, s25  }
0x180: {  	[spmem:s17], [sflag:s19] =	dma.local [hbm:s31], $0x8000  }
0x181: {  	_ =	swait.ge [sflag:s20], $0x8000  }
0x182: {  	[sflag:s20] =	ssyncset.done $0x0  }
0x183: {  	[sflag:s20] =	ssyncadd.s32 $0xFFFF8000  }
0x184: {  	s26 =	sadd.s32 s26, s2  }
0x185: {  	[hbm:s26], [sflag:s23] =	dma.local [spmem:s18], $0x8000  }
0x186: {  	_ =	swait.ge [sflag:s21], $0x8000  }
0x187: {  	[sflag:s21] =	ssyncset.done $0x0  }
0x188: {  	s29 =	sand.u32 $0x1D0000, s25;
	[sflag:s21] =	ssyncadd.s32 $0xFFFF8000  }
0x189: {  	s26 =	sadd.s32 s29, s4  }
0x18a: {  	[spmem:s13], [sflag:s15] =	dma.local [hbm:s26], $0x8000  }
0x18b: {  	_ =	swait.ge [sflag:s8], $0x8000  }
0x18c: {  	[sflag:s8] =	ssyncset.done $0x0  }
0x18d: {  	[sflag:s8] =	ssyncadd.s32 $0xFFFF8000  }
0x18e: {  	s30 =	sadd.s32 $0xC0000, s10  }
0x18f: {  	[hbm:s30], [sflag:s7] =	dma.local [spmem:s3], $0x8000  }
0x190: {  	_ =	swait.ge [sflag:s22], $0x8000  }
0x191: {  	[sflag:s22] =	ssyncset.done $0x0  }
0x192: {  	s26 =	sor.u32 $0xE8000, s11;
	[sflag:s22] =	ssyncadd.s32 $0xFFFF8000  }
0x193: {  	s31 =	sadd.s32 s4, s26  }
0x194: {  	[spmem:s14], [sflag:s16] =	dma.local [hbm:s31], $0x8000  }
0x195: {  	_ =	swait.ge [sflag:s6], $0x8000  }
0x196: {  	[sflag:s6] =	ssyncset.done $0x0  }
0x197: {  	[sflag:s6] =	ssyncadd.s32 $0xFFFF8000  }
0x198: {  	s24 =	sadd.s32 s24, s2  }
0x199: {  	[hbm:s24], [sflag:s9] =	dma.local [spmem:s5], $0x8000  }
0x19a: {  	_ =	swait.ge [sflag:s23], $0x8000  }
0x19b: {  	[sflag:s23] =	ssyncset.done $0x0  }
0x19c: {  	s29 =	sand.u32 $0x1E0000, s26;
	[sflag:s23] =	ssyncadd.s32 $0xFFFF8000  }
0x19d: {  	s24 =	sadd.s32 s29, s4  }
0x19e: {  	[spmem:s18], [sflag:s20] =	dma.local [hbm:s24], $0x8000  }
0x19f: {  	_ =	swait.ge [sflag:s19], $0x8000  }
0x1a0: {  	[sflag:s19] =	ssyncset.done $0x0  }
0x1a1: {  	[sflag:s19] =	ssyncadd.s32 $0xFFFF8000  }
0x1a2: {  	s30 =	sadd.s32 $0xD0000, s10  }
0x1a3: {  	[hbm:s30], [sflag:s12] =	dma.local [spmem:s17], $0x8000  }
0x1a4: {  	_ =	swait.ge [sflag:s7], $0x8000  }
0x1a5: {  	[sflag:s7] =	ssyncset.done $0x0  }
0x1a6: {  	s11 =	sor.u32 $0xF8000, s11;
	[sflag:s7] =	ssyncadd.s32 $0xFFFF8000  }
0x1a7: {  	s31 =	sadd.s32 s4, s11  }
0x1a8: {  	[spmem:s3], [sflag:s8] =	dma.local [hbm:s31], $0x8000  }
0x1a9: {  	_ =	swait.ge [sflag:s15], $0x8000  }
0x1aa: {  	[sflag:s15] =	ssyncset.done $0x0  }
0x1ab: {  	[sflag:s15] =	ssyncadd.s32 $0xFFFF8000  }
0x1ac: {  	s19 =	sadd.s32 s25, s2  }
0x1ad: {  	[hbm:s19], [sflag:s21] =	dma.local [spmem:s13], $0x8000  }
0x1ae: {  	_ =	swait.ge [sflag:s9], $0x8000  }
0x1af: {  	[sflag:s9] =	ssyncset.done $0x0  }
0x1b0: {  	s24 =	sand.u32 $0x1F0000, s11;
	[sflag:s9] =	ssyncadd.s32 $0xFFFF8000  }
0x1b1: {  	s4 =	sadd.s32 s24, s4  }
0x1b2: {  	[spmem:s5], [sflag:s6] =	dma.local [hbm:s4], $0x8000  }
0x1b3: {  	_ =	swait.ge [sflag:s16], $0x8000  }
0x1b4: {  	[sflag:s16] =	ssyncset.done $0x0  }
0x1b5: {  	[sflag:s16] =	ssyncadd.s32 $0xFFFF8000  }
0x1b6: {  	s25 =	sadd.s32 $0xE0000, s10  }
0x1b7: {  	[hbm:s25], [sflag:s22] =	dma.local [spmem:s14], $0x8000  }
0x1b8: {  	_ =	swait.ge [sflag:s20], $0x8000  }
0x1b9: {  	[sflag:s20] =	ssyncset.done $0x0  }
0x1ba: {  	[sflag:s20] =	ssyncadd.s32 $0xFFFF8000  }
0x1bb: {  	s26 =	sadd.s32 s26, s2  }
0x1bc: {  	[hbm:s26], [sflag:s23] =	dma.local [spmem:s18], $0x8000  }
0x1bd: {  	_ =	swait.ge [sflag:s8], $0x8000  }
0x1be: {  	[sflag:s8] =	ssyncset.done $0x0  }
0x1bf: {  	[sflag:s8] =	ssyncadd.s32 $0xFFFF8000  }
0x1c0: {  	s28 =	sadd.s32 $0xF0000, s10  }
0x1c1: {  	[hbm:s28], [sflag:s7] =	dma.local [spmem:s3], $0x8000  }
0x1c2: {  	_ =	swait.ge [sflag:s6], $0x8000  }
0x1c3: {  	[sflag:s6] =	ssyncset.done $0x0  }
0x1c4: {  	[sflag:s6] =	ssyncadd.s32 $0xFFFF8000  }
0x1c5: {  	s2 =	sadd.s32 s11, s2  }
0x1c6: {  	[hbm:s2], [sflag:s9] =	dma.local [spmem:s5], $0x8000  }
0x1c7: {  	_ =	swait.ge [sflag:s12], $0x8000  }
0x1c8: {  	[sflag:s12] =	ssyncset.done $0x0  }
0x1c9: {  	[sflag:s12] =	ssyncadd.s32 $0xFFFF8000;
	_ =	sdelay $0x2  }
0x1ca: {  	_ =	swait.ge [sflag:s21], $0x8000  }
0x1cb: {  	[sflag:s21] =	ssyncset.done $0x0  }
0x1cc: {  	[sflag:s21] =	ssyncadd.s32 $0xFFFF8000;
	_ =	sdelay $0x2  }
0x1cd: {  	_ =	swait.ge [sflag:s22], $0x8000  }
0x1ce: {  	[sflag:s22] =	ssyncset.done $0x0  }
0x1cf: {  	[sflag:s22] =	ssyncadd.s32 $0xFFFF8000;
	_ =	sdelay $0x2  }
0x1d0: {  	_ =	swait.ge [sflag:s23], $0x8000  }
0x1d1: {  	[sflag:s23] =	ssyncset.done $0x0  }
0x1d2: {  	[sflag:s23] =	ssyncadd.s32 $0xFFFF8000;
	_ =	sdelay $0x2  }
0x1d3: {  	_ =	swait.ge [sflag:s7], $0x8000  }
0x1d4: {  	[sflag:s7] =	ssyncset.done $0x0  }
0x1d5: {  	[sflag:s7] =	ssyncadd.s32 $0xFFFF8000;
	_ =	sdelay $0x2  }
0x1d6: {  	_ =	swait.ge [sflag:s9], $0x8000  }
0x1d7: {  	[sflag:s9] =	ssyncset.done $0x0  }
0x1d8: {  	[sflag:s9] =	ssyncadd.s32 $0xFFFF8000  }
0x1d9: {  	_ =	strace $0x90000046  }
0x1da: {  	_ =	sfence  }
0x1db: {  	s29 =	sld [smem:$0x0];
	_ =	sdelay $0x2  }
0x1dc: {  	s30 =	sshll.u32 s1, $0xD;
	s1 =	sshrl.u32 s1, $0x2  }
0x1dd: {  	s31 =	sand.u32 $0x4000, s30;
	s1 =	sadd.s32 s1, s29  }
0x1de: {  	s0 =	sor.u32 s31, s0;
	s1 =	sshll.u32 s1, $0x11  }
0x1df: {  	s0 =	sor.u32 s1, s0  }
0x1e0: {  	s0 =	sadd.s32 $0x8F2B, s0;
	(pc) =	sbr.abs _section_cstart, $3  }
0x1e1: {  	[sflag:s0] =	ssyncadd.remote.s32 $0x1  }
0x1e2: {  	_ =	strace $0x9FFFFFFF  }
0x1e3: {  	(tm) =	ssettm $0x7FFFFFFF  }

</sc_bundles>
